<compile_context>
chip_gen: v7x
topology: tpu7x:2x2x1
jax: 0.10.2.dev20260603
libtpu: 0.0.44.dev20260713+nightly
codegen_flags: <defaults>
</compile_context>

<pallas_src>
import functools

import numpy as np
import jax
import jax.numpy as jnp
from jax import lax
from jax.experimental import pallas as pl
from jax.experimental.pallas import tpu as pltpu
from jax.experimental.pallas import tpu_sc as plsc

N = 10000
D = 128
R = 24

NC = 2
NS = 16
NW = NC * NS

CH = 128
TRASH = 16
ROWS_PT = 632
ACC_ROWS = ROWS_PT * NS

BN = 2000



def _l1_body(h_ref, w_ref, o_ref):
    o_ref[...] = jnp.dot(h_ref[...], w_ref[0],
                         preferred_element_type=jnp.float32)[None, :, :]


def _finish_body(p_ref, dg_ref, o_ref):
    acc = p_ref[0] + p_ref[1]
    deg = jnp.maximum(dg_ref[0, :, 0:1] + dg_ref[1, :, 0:1], 1.0)
    o_ref[...] = jnp.maximum(acc / deg, 0.0)


def _transform_l1(x, W):
    return pl.pallas_call(
        _l1_body,
        grid=(N // BN, R),
        in_specs=[
            pl.BlockSpec((BN, D), lambda i, r: (i, 0)),
            pl.BlockSpec((1, D, D), lambda i, r: (r, 0, 0)),
        ],
        out_specs=pl.BlockSpec((1, BN, D), lambda i, r: (r, i, 0)),
        out_shape=jax.ShapeDtypeStruct((R, N, D), jnp.float32),
    )(x, W)


def _finish(p, dg):
    return pl.pallas_call(
        _finish_body,
        grid=(N // BN,),
        in_specs=[
            pl.BlockSpec((NC, BN, D), lambda i: (0, i, 0)),
            pl.BlockSpec((NC, BN, D), lambda i: (0, i, 0)),
        ],
        out_specs=pl.BlockSpec((BN, D), lambda i: (i, 0)),
        out_shape=jax.ShapeDtypeStruct((N, D), jnp.float32),
    )(p, dg)



def _sc_pass(ht, idxp, zrow, ones, *, n_chunks, with_deg):
    mesh = plsc.VectorSubcoreMesh(core_axis_name="c", subcore_axis_name="s")
    out_type = [jax.ShapeDtypeStruct((NC, ACC_ROWS, D), jnp.float32)]
    if with_deg:
        out_type.append(jax.ShapeDtypeStruct((NC, ACC_ROWS, D), jnp.float32))

    @functools.partial(
        pl.kernel, mesh=mesh,
        out_type=tuple(out_type),
        scratch_types=[
            pltpu.VMEM((2, CH), jnp.int32),
            pltpu.VMEM((2, CH), jnp.int32),
            pltpu.VMEM((CH, D), jnp.float32),
            pltpu.VMEM((CH, D), jnp.float32),
            pltpu.VMEM_SHARED((ACC_ROWS, D), jnp.float32),
            pltpu.SemaphoreType.DMA,
            pltpu.SemaphoreType.DMA,
            pltpu.SemaphoreType.DMA,
            pltpu.SemaphoreType.DMA,
        ])
    def k(ht_hbm, idx_hbm, zrow_hbm, ones_hbm, *refs):
        if with_deg:
            out_hbm, deg_hbm = refs[:2]
            refs = refs[2:]
        else:
            out_hbm = refs[0]
            refs = refs[1:]
        pa, pb, rows_a, rows_b, acc, sem_a, sem_b, sem_ia, sem_ib = refs
        c = lax.axis_index("c")
        s = lax.axis_index("s")
        w = c * NS + s
        base = w * n_chunks
        tsl = pl.ds(s * ROWS_PT, ROWS_PT)
        csl = pl.ds(s * ROWS_PT, ROWS_PT)

        pltpu.sync_copy(zrow_hbm, acc.at[tsl])
        plsc.subcore_barrier()

        if with_deg:
            pltpu.sync_copy(ones_hbm, rows_a)
            pltpu.sync_copy(idx_hbm.at[base], pa)

            @pl.when(n_chunks > 1)
            def _():
                pltpu.async_copy(idx_hbm.at[base + 1], pb, sem_ib)

            def dchunk(i, carry):
                @pl.when(i % 2 == 0)
                def _():
                    @pl.when(i > 0)
                    def _():
                        pltpu.make_async_copy(idx_hbm.at[base], pa, sem_ia).wait()
                    pltpu.async_copy(rows_a, acc.at[pa.at[1]], sem_a, add=True)

                    @pl.when(i > 0)
                    def _():
                        pltpu.make_async_copy(
                            rows_a, acc.at[pb.at[1]], sem_b).wait()

                        @pl.when(i + 1 < n_chunks)
                        def _():
                            pltpu.async_copy(idx_hbm.at[base + i + 1], pb, sem_ib)

                @pl.when(i % 2 == 1)
                def _():
                    pltpu.make_async_copy(idx_hbm.at[base], pb, sem_ib).wait()
                    pltpu.async_copy(rows_a, acc.at[pb.at[1]], sem_b, add=True)
                    pltpu.make_async_copy(rows_a, acc.at[pa.at[1]], sem_a).wait()

                    @pl.when(i + 1 < n_chunks)
                    def _():
                        pltpu.async_copy(idx_hbm.at[base + i + 1], pa, sem_ia)
                return carry

            lax.fori_loop(0, n_chunks, dchunk, 0)
            pltpu.make_async_copy(rows_a, acc.at[pb.at[1]], sem_b).wait()
            plsc.subcore_barrier()
            pltpu.sync_copy(acc.at[csl], deg_hbm.at[c, csl])
            pltpu.sync_copy(zrow_hbm, acc.at[tsl])
            plsc.subcore_barrier()

        pltpu.sync_copy(idx_hbm.at[base], pa)
        pltpu.async_copy(ht_hbm.at[pa.at[0]], rows_a, sem_a)

        @pl.when(n_chunks > 1)
        def _():
            pltpu.async_copy(idx_hbm.at[base + 1], pb, sem_ib)

        def chunk(i, carry):
            @pl.when(i % 2 == 0)
            def _():
                pltpu.make_async_copy(ht_hbm.at[pa.at[0]], rows_a, sem_a).wait()

                @pl.when(i + 1 < n_chunks)
                def _():
                    pltpu.make_async_copy(idx_hbm.at[base], pb, sem_ib).wait()
                    pltpu.async_copy(ht_hbm.at[pb.at[0]], rows_b, sem_b)
                pltpu.sync_copy(rows_a, acc.at[pa.at[1]], add=True)

                @pl.when(i + 2 < n_chunks)
                def _():
                    pltpu.async_copy(idx_hbm.at[base + i + 2], pa, sem_ia)

            @pl.when(i % 2 == 1)
            def _():
                pltpu.make_async_copy(ht_hbm.at[pb.at[0]], rows_b, sem_b).wait()

                @pl.when(i + 1 < n_chunks)
                def _():
                    pltpu.make_async_copy(idx_hbm.at[base], pa, sem_ia).wait()
                    pltpu.async_copy(ht_hbm.at[pa.at[0]], rows_a, sem_a)
                pltpu.sync_copy(rows_b, acc.at[pb.at[1]], add=True)

                @pl.when(i + 2 < n_chunks)
                def _():
                    pltpu.async_copy(idx_hbm.at[base + i + 2], pb, sem_ib)
            return carry

        lax.fori_loop(0, n_chunks, chunk, 0)
        plsc.subcore_barrier()

        pltpu.sync_copy(acc.at[csl], out_hbm.at[c, csl])

    return k(ht, idxp, zrow, ones)



def kernel(x, edge_index, edge_type, W0, W1):
    E = edge_index.shape[1]
    n_chunks = -(-E // (NW * CH))
    n_chunks = (n_chunks + 7) // 8 * 8
    e_pad = n_chunks * CH * NW
    npad = e_pad - E
    pad_src = jnp.asarray(np.arange(npad, dtype=np.int32) % N)
    pad_typ = jnp.zeros((npad,), jnp.int32)
    pad_dst = jnp.asarray(N + (np.arange(npad, dtype=np.int32) % TRASH))

    srcp = jnp.concatenate([edge_index[0], pad_src])
    typp = jnp.concatenate([edge_type, pad_typ])
    gidp = (typp * N + srcp).reshape(NW * n_chunks, CH)
    dstp = jnp.concatenate([edge_index[1], pad_dst]).reshape(NW * n_chunks, CH)
    idxp = jnp.stack([gidp, dstp], axis=1)

    zrow = jnp.zeros((ROWS_PT, D), jnp.float32)
    ones = jnp.ones((CH, D), jnp.float32)

    ht0 = _transform_l1(x, W0).reshape(R * N, D)
    p0, dg = _sc_pass(ht0, idxp, zrow, ones, n_chunks=n_chunks, with_deg=True)
    h1 = _finish(p0, dg)
    ht1 = _transform_l1(h1, W1).reshape(R * N, D)
    out1 = _sc_pass(ht1, idxp, zrow, ones, n_chunks=n_chunks, with_deg=False)
    p1 = out1[0] if isinstance(out1, (tuple, list)) else out1
    return _finish(p1, dg)

# --- scband reference (transcript-rebuilt; emitter-appended) ---
"""Pipeline reference for scband-rgcn-59210419143214 (READ-ONLY COPY).

The authoritative reference and input builder live on the scoring server;
editing this copy changes nothing except your own understanding.
"""

import jax, jax.numpy as jnp
import numpy as np

N = 10000
E = 320000
D = 128
R = 24


def setup_inputs(seed: int = 0) -> dict:
    key = jax.random.key(seed)
    k1, k2, k3, k4, k5 = jax.random.split(key, 5)
    x = jax.random.normal(k1, (N, D), dtype=jnp.float32)
    edge_index = jax.random.randint(k2, (2, E), 0, N, dtype=jnp.int32)
    edge_type = jax.random.randint(k3, (E,), 0, R, dtype=jnp.int32)
    # Per-relation weights for the two RelGraphConv layers (no basis decomposition, num_bases=None)
    W0 = jax.random.normal(k4, (R, D, D), dtype=jnp.float32) * (1.0 / np.sqrt(D))
    W1 = jax.random.normal(k5, (R, D, D), dtype=jnp.float32) * (1.0 / np.sqrt(D))
    return {"x": x, "edge_index": edge_index, "edge_type": edge_type, "W0": W0, "W1": W1}


def _rgcn_layer(h, src, dst, edge_type, W):
    # Transform every node by every relation weight, then gather per edge
    # (equivalent to per-edge W[r] @ h[src], but avoids materializing E copies of W)
    h_trans = jnp.einsum('nd,rdo->nro', h, W)          # [N, R, D]
    msg = h_trans[src, edge_type]                      # gather -> [E, D]
    agg = jax.ops.segment_sum(msg, dst, num_segments=N)  # scatter-add -> [N, D]
    deg = jax.ops.segment_sum(jnp.ones((src.shape[0],), dtype=h.dtype), dst, num_segments=N)
    agg = agg / jnp.clip(deg, 1.0)[:, None]            # mean aggregator
    return jax.nn.relu(agg)                            # activation=relu, dropout=0, skip=False


def reference(x, edge_index, edge_type, W0, W1):
    src = edge_index[0]
    dst = edge_index[1]
    h = _rgcn_layer(x, src, dst, edge_type, W0)
    h = _rgcn_layer(h, src, dst, edge_type, W1)
    return h

if __name__ == "__main__":
    import jax
    _d = setup_inputs()
    print(jax.jit(kernel)(*tuple(_d.values())))

</pallas_src>

<mosaic_0001>
#map = affine_map<(d0, d1) -> (0, 0)>
#map1 = affine_map<(d0, d1) -> (0, 0, 0)>
module attributes {stable_mosaic.version = 14 : i64} {
  func.func @k(%arg0: i32, %arg1: i32, %arg2: memref<240000x128xf32, #tpu.memory_space<hbm>>, %arg3: memref<2560x2x128xi32, #tpu.memory_space<hbm>>, %arg4: memref<632x128xf32, #tpu.memory_space<hbm>>, %arg5: memref<128x128xf32, #tpu.memory_space<hbm>>, %arg6: memref<2x10112x128xf32, #tpu.memory_space<hbm>>, %arg7: memref<2x10112x128xf32, #tpu.memory_space<hbm>>, %arg8: memref<2x128xi32, #tpu.memory_space<vmem>>, %arg9: memref<2x128xi32, #tpu.memory_space<vmem>>, %arg10: memref<128x128xf32, #tpu.memory_space<vmem>>, %arg11: memref<128x128xf32, #tpu.memory_space<vmem>>, %arg12: memref<10112x128xf32, #tpu.memory_space<vmem_shared>>, %arg13: memref<!tpu.dma_semaphore, #tpu.memory_space<semaphore_mem>>, %arg14: memref<!tpu.dma_semaphore, #tpu.memory_space<semaphore_mem>>, %arg15: memref<!tpu.dma_semaphore, #tpu.memory_space<semaphore_mem>>, %arg16: memref<!tpu.dma_semaphore, #tpu.memory_space<semaphore_mem>>) attributes {dimension_semantics = [#tpu.dimension_semantics<core_parallel>, #tpu.dimension_semantics<subcore_parallel>], iteration_bounds = array<i64: 2, 16>, scalar_prefetch = 0 : i64, scratch_operands = 9 : i64, tpu.core_type = #tpu.core_type<sc_vector_subcore>, window_params = [{transform_indices = #map}, {transform_indices = #map1}, {transform_indices = #map}, {transform_indices = #map}, {transform_indices = #map1}, {transform_indices = #map1}]} {
    %mul3A = arith.constant 16 : i32
    %mul3A_0 = arith.muli %arg0, %mul3A : i32
    %add3A = arith.addi %mul3A_0, %arg1 : i32
    %mul3A_1 = arith.constant 80 : i32
    %mul3A_2 = arith.muli %add3A, %mul3A_1 : i32
    %mul3A_3 = arith.constant 632 : i32
    %mul3A_4 = arith.muli %arg1, %mul3A_3 : i32
    %mul3A_5 = arith.constant 632 : i32
    %mul3A_6 = arith.muli %arg1, %mul3A_5 : i32
    "tpu.region"() ({
      %run_scoped3A = tpu.sem_alloc : memref<!tpu.dma_semaphore, #tpu.memory_space<semaphore_mem>>
      %dma_start3A_53 = arith.constant 0 : i32
      %dma_start3A_54 = tpu.memref_slice %arg12[%mul3A_4, %dma_start3A_53] : memref<10112x128xf32, #tpu.memory_space<vmem_shared>> -> memref<632x128xf32, #tpu.memory_space<vmem_shared>>
      tpu.enqueue_dma source(%arg4 : memref<632x128xf32, #tpu.memory_space<hbm>>) target(%dma_start3A_54 : memref<632x128xf32, #tpu.memory_space<vmem_shared>>) target_semaphore(%run_scoped3A : memref<!tpu.dma_semaphore, #tpu.memory_space<semaphore_mem>>)
      %dma_wait3A_55 = arith.constant 0 : i32
      %dma_wait3A_56 = tpu.memref_slice %arg12[%mul3A_4, %dma_wait3A_55] : memref<10112x128xf32, #tpu.memory_space<vmem_shared>> -> memref<632x128xf32, #tpu.memory_space<vmem_shared>>
      tpu.wait_dma2 semaphore(%run_scoped3A : memref<!tpu.dma_semaphore, #tpu.memory_space<semaphore_mem>>) src(%arg4 : memref<632x128xf32, #tpu.memory_space<hbm>>) dst(%dma_wait3A_56 : memref<632x128xf32, #tpu.memory_space<vmem_shared>>)
      tpu.yield
    }) : () -> ()
    %barrier3A = arith.constant 0 : index
    tpu.barrier barrier_id(%barrier3A)
    "tpu.region"() ({
      %run_scoped3A = tpu.sem_alloc : memref<!tpu.dma_semaphore, #tpu.memory_space<semaphore_mem>>
      tpu.enqueue_dma source(%arg5 : memref<128x128xf32, #tpu.memory_space<hbm>>) target(%arg10 : memref<128x128xf32, #tpu.memory_space<vmem>>) target_semaphore(%run_scoped3A : memref<!tpu.dma_semaphore, #tpu.memory_space<semaphore_mem>>)
      tpu.wait_dma2 semaphore(%run_scoped3A : memref<!tpu.dma_semaphore, #tpu.memory_space<semaphore_mem>>) src(%arg5 : memref<128x128xf32, #tpu.memory_space<hbm>>) dst(%arg10 : memref<128x128xf32, #tpu.memory_space<vmem>>)
      tpu.yield
    }) : () -> ()
    "tpu.region"() ({
      %run_scoped3A = tpu.sem_alloc : memref<!tpu.dma_semaphore, #tpu.memory_space<semaphore_mem>>
      %dma_start3A_53 = arith.constant 0 : i32
      %dma_start3A_54 = arith.constant 0 : i32
      %dma_start3A_55 = tpu.memref_slice %arg3[%mul3A_2, %dma_start3A_53, %dma_start3A_54] : memref<2560x2x128xi32, #tpu.memory_space<hbm>> -> memref<1x2x128xi32, #tpu.memory_space<hbm>>
      %dma_start3A_56 = tpu.memref_squeeze %dma_start3A_55 : memref<1x2x128xi32, #tpu.memory_space<hbm>> -> memref<2x128xi32, #tpu.memory_space<hbm>>
      %dma_start3A_57 = arith.constant 0 : i32
      %dma_start3A_58 = arith.constant 0 : i32
      %dma_start3A_59 = tpu.memref_slice %arg3[%mul3A_2, %dma_start3A_57, %dma_start3A_58] : memref<2560x2x128xi32, #tpu.memory_space<hbm>> -> memref<1x2x128xi32, #tpu.memory_space<hbm>>
      %dma_start3A_60 = tpu.memref_squeeze %dma_start3A_59 : memref<1x2x128xi32, #tpu.memory_space<hbm>> -> memref<2x128xi32, #tpu.memory_space<hbm>>
      tpu.enqueue_dma source(%dma_start3A_60 : memref<2x128xi32, #tpu.memory_space<hbm>>) target(%arg8 : memref<2x128xi32, #tpu.memory_space<vmem>>) target_semaphore(%run_scoped3A : memref<!tpu.dma_semaphore, #tpu.memory_space<semaphore_mem>>)
      %dma_wait3A_61 = arith.constant 0 : i32
      %dma_wait3A_62 = arith.constant 0 : i32
      %dma_wait3A_63 = tpu.memref_slice %arg3[%mul3A_2, %dma_wait3A_61, %dma_wait3A_62] : memref<2560x2x128xi32, #tpu.memory_space<hbm>> -> memref<1x2x128xi32, #tpu.memory_space<hbm>>
      %dma_wait3A_64 = tpu.memref_squeeze %dma_wait3A_63 : memref<1x2x128xi32, #tpu.memory_space<hbm>> -> memref<2x128xi32, #tpu.memory_space<hbm>>
      %dma_wait3A_65 = arith.constant 0 : i32
      %dma_wait3A_66 = arith.constant 0 : i32
      %dma_wait3A_67 = tpu.memref_slice %arg3[%mul3A_2, %dma_wait3A_65, %dma_wait3A_66] : memref<2560x2x128xi32, #tpu.memory_space<hbm>> -> memref<1x2x128xi32, #tpu.memory_space<hbm>>
      %dma_wait3A_68 = tpu.memref_squeeze %dma_wait3A_67 : memref<1x2x128xi32, #tpu.memory_space<hbm>> -> memref<2x128xi32, #tpu.memory_space<hbm>>
      tpu.wait_dma2 semaphore(%run_scoped3A : memref<!tpu.dma_semaphore, #tpu.memory_space<semaphore_mem>>) src(%dma_wait3A_68 : memref<2x128xi32, #tpu.memory_space<hbm>>) dst(%arg8 : memref<2x128xi32, #tpu.memory_space<vmem>>)
      tpu.yield
    }) : () -> ()
    %add3A_7 = arith.constant 1 : i32
    %add3A_8 = arith.addi %mul3A_2, %add3A_7 : i32
    %dma_start3A = arith.constant 0 : i32
    %dma_start3A_9 = arith.constant 0 : i32
    %dma_start3A_10 = tpu.memref_slice %arg3[%add3A_8, %dma_start3A, %dma_start3A_9] : memref<2560x2x128xi32, #tpu.memory_space<hbm>> -> memref<1x2x128xi32, #tpu.memory_space<hbm>>
    %dma_start3A_11 = tpu.memref_squeeze %dma_start3A_10 : memref<1x2x128xi32, #tpu.memory_space<hbm>> -> memref<2x128xi32, #tpu.memory_space<hbm>>
    %dma_start3A_12 = arith.constant 0 : i32
    %dma_start3A_13 = arith.constant 0 : i32
    %dma_start3A_14 = tpu.memref_slice %arg3[%add3A_8, %dma_start3A_12, %dma_start3A_13] : memref<2560x2x128xi32, #tpu.memory_space<hbm>> -> memref<1x2x128xi32, #tpu.memory_space<hbm>>
    %dma_start3A_15 = tpu.memref_squeeze %dma_start3A_14 : memref<1x2x128xi32, #tpu.memory_space<hbm>> -> memref<2x128xi32, #tpu.memory_space<hbm>>
    tpu.enqueue_dma source(%dma_start3A_15 : memref<2x128xi32, #tpu.memory_space<hbm>>) target(%arg9 : memref<2x128xi32, #tpu.memory_space<vmem>>) target_semaphore(%arg16 : memref<!tpu.dma_semaphore, #tpu.memory_space<semaphore_mem>>)
    %scan3A = arith.constant 0 : i32
    %scan3A_16 = arith.constant 0 : i32
    %scan3A_17 = arith.constant 80 : i32
    %scan3A_18 = arith.addi %scan3A_16, %scan3A_17 : i32
    %scan3A_19 = arith.constant 1 : i32
    scf.for %scan3A_53 = %scan3A_16 to %scan3A_18 step %scan3A_19  : i32 {
      %jit3A = arith.constant 2 : i32
      %eq3A = arith.constant 0 : i32
      %eq3A_54 = arith.cmpi eq, %jit3A, %eq3A : i32
      %jit3A_55 = arith.constant 1 : i32
      %select_n3A = arith.select %eq3A_54, %jit3A_55, %jit3A : i32
      %rem3A = arith.remsi %scan3A_53, %select_n3A : i32
      %ne3A = arith.constant 0 : i32
      %ne3A_56 = arith.cmpi ne, %rem3A, %ne3A : i32
      %lt3A = arith.constant 0 : i32
      %lt3A_57 = arith.cmpi slt, %rem3A, %lt3A : i32
      %lt3A_58 = arith.constant 0 : i32
      %lt3A_59 = arith.cmpi slt, %select_n3A, %lt3A_58 : i32
      %ne3A_60 = arith.xori %lt3A_57, %lt3A_59 : i1
      %and3A = arith.andi %ne3A_60, %ne3A_56 : i1
      %add3A_61 = arith.addi %rem3A, %select_n3A : i32
      %select_n3A_62 = arith.select %and3A, %add3A_61, %rem3A : i32
      %eq3A_63 = arith.constant 0 : i32
      %eq3A_64 = arith.cmpi eq, %select_n3A_62, %eq3A_63 : i32
      %convert_element_type3A = arith.extui %eq3A_64 : i1 to i32
      %cond3A = arith.constant 0 : i32
      %cond3A_65 = arith.cmpi ne, %convert_element_type3A, %cond3A : i32
      scf.if %cond3A_65 {
        %gt3A = arith.constant 0 : i32
        %gt3A_87 = arith.cmpi sgt, %scan3A_53, %gt3A : i32
        %convert_element_type3A_88 = arith.extui %gt3A_87 : i1 to i32
        %cond3A_89 = arith.constant 0 : i32
        %cond3A_90 = arith.cmpi ne, %convert_element_type3A_88, %cond3A_89 : i32
        scf.if %cond3A_90 {
          %dma_wait3A_103 = arith.constant 0 : i32
          %dma_wait3A_104 = arith.constant 0 : i32
          %dma_wait3A_105 = tpu.memref_slice %arg3[%mul3A_2, %dma_wait3A_103, %dma_wait3A_104] : memref<2560x2x128xi32, #tpu.memory_space<hbm>> -> memref<1x2x128xi32, #tpu.memory_space<hbm>>
          %dma_wait3A_106 = tpu.memref_squeeze %dma_wait3A_105 : memref<1x2x128xi32, #tpu.memory_space<hbm>> -> memref<2x128xi32, #tpu.memory_space<hbm>>
          %dma_wait3A_107 = arith.constant 0 : i32
          %dma_wait3A_108 = arith.constant 0 : i32
          %dma_wait3A_109 = tpu.memref_slice %arg3[%mul3A_2, %dma_wait3A_107, %dma_wait3A_108] : memref<2560x2x128xi32, #tpu.memory_space<hbm>> -> memref<1x2x128xi32, #tpu.memory_space<hbm>>
          %dma_wait3A_110 = tpu.memref_squeeze %dma_wait3A_109 : memref<1x2x128xi32, #tpu.memory_space<hbm>> -> memref<2x128xi32, #tpu.memory_space<hbm>>
          tpu.wait_dma2 semaphore(%arg15 : memref<!tpu.dma_semaphore, #tpu.memory_space<semaphore_mem>>) src(%dma_wait3A_110 : memref<2x128xi32, #tpu.memory_space<hbm>>) dst(%arg8 : memref<2x128xi32, #tpu.memory_space<vmem>>)
        } else {
        }
        %dma_start3A_91 = arith.constant 1 : i32
        %dma_start3A_92 = arith.constant 0 : i32
        %dma_start3A_93 = tpu.memref_slice %arg8[%dma_start3A_91, %dma_start3A_92] : memref<2x128xi32, #tpu.memory_space<vmem>> -> memref<1x128xi32, #tpu.memory_space<vmem>>
        %dma_start3A_94 = tpu.memref_squeeze %dma_start3A_93 : memref<1x128xi32, #tpu.memory_space<vmem>> -> memref<128xi32, #tpu.memory_space<vmem>>
        %dma_start3A_95 = arith.constant 0 : i32
        %dma_start3A_96 = arith.constant 0 : i32
        %dma_start3A_97 = tpu.memref_slice %arg12[%dma_start3A_95, %dma_start3A_96] : memref<10112x128xf32, #tpu.memory_space<vmem_shared>> -> memref<10112x128xf32, #tpu.memory_space<vmem_shared>>
        tpu.enqueue_indirect_dma source(%arg10 : memref<128x128xf32, #tpu.memory_space<vmem>>) target(%dma_start3A_97 : memref<10112x128xf32, #tpu.memory_space<vmem_shared>>) offsets(%dma_start3A_94 : memref<128xi32, #tpu.memory_space<vmem>>) semaphore(%arg13 : memref<!tpu.dma_semaphore, #tpu.memory_space<semaphore_mem>>) {add = true}
        %gt3A_98 = arith.constant 0 : i32
        %gt3A_99 = arith.cmpi sgt, %scan3A_53, %gt3A_98 : i32
        %convert_element_type3A_100 = arith.extui %gt3A_99 : i1 to i32
        %cond3A_101 = arith.constant 0 : i32
        %cond3A_102 = arith.cmpi ne, %convert_element_type3A_100, %cond3A_101 : i32
        scf.if %cond3A_102 {
          %dma_wait3A_103 = arith.constant 1 : i32
          %dma_wait3A_104 = arith.constant 0 : i32
          %dma_wait3A_105 = tpu.memref_slice %arg9[%dma_wait3A_103, %dma_wait3A_104] : memref<2x128xi32, #tpu.memory_space<vmem>> -> memref<1x128xi32, #tpu.memory_space<vmem>>
          %dma_wait3A_106 = tpu.memref_squeeze %dma_wait3A_105 : memref<1x128xi32, #tpu.memory_space<vmem>> -> memref<128xi32, #tpu.memory_space<vmem>>
          %dma_wait3A_107 = arith.constant 0 : i32
          %dma_wait3A_108 = arith.constant 0 : i32
          %dma_wait3A_109 = tpu.memref_slice %arg12[%dma_wait3A_107, %dma_wait3A_108] : memref<10112x128xf32, #tpu.memory_space<vmem_shared>> -> memref<10112x128xf32, #tpu.memory_space<vmem_shared>>
          tpu.wait_indirect_dma semaphore(%arg14 : memref<!tpu.dma_semaphore, #tpu.memory_space<semaphore_mem>>) src(%arg10 : memref<128x128xf32, #tpu.memory_space<vmem>>) dst(%dma_wait3A_109 : memref<10112x128xf32, #tpu.memory_space<vmem_shared>>)
          %add3A_110 = arith.constant 1 : i32
          %add3A_111 = arith.addi %scan3A_53, %add3A_110 : i32
          %lt3A_112 = arith.constant 80 : i32
          %lt3A_113 = arith.cmpi slt, %add3A_111, %lt3A_112 : i32
          %convert_element_type3A_114 = arith.extui %lt3A_113 : i1 to i32
          %cond3A_115 = arith.constant 0 : i32
          %cond3A_116 = arith.cmpi ne, %convert_element_type3A_114, %cond3A_115 : i32
          scf.if %cond3A_116 {
            %add3A_117 = arith.addi %mul3A_2, %scan3A_53 : i32
            %add3A_118 = arith.constant 1 : i32
            %add3A_119 = arith.addi %add3A_117, %add3A_118 : i32
            %dma_start3A_120 = arith.constant 0 : i32
            %dma_start3A_121 = arith.constant 0 : i32
            %dma_start3A_122 = tpu.memref_slice %arg3[%add3A_119, %dma_start3A_120, %dma_start3A_121] : memref<2560x2x128xi32, #tpu.memory_space<hbm>> -> memref<1x2x128xi32, #tpu.memory_space<hbm>>
            %dma_start3A_123 = tpu.memref_squeeze %dma_start3A_122 : memref<1x2x128xi32, #tpu.memory_space<hbm>> -> memref<2x128xi32, #tpu.memory_space<hbm>>
            %dma_start3A_124 = arith.constant 0 : i32
            %dma_start3A_125 = arith.constant 0 : i32
            %dma_start3A_126 = tpu.memref_slice %arg3[%add3A_119, %dma_start3A_124, %dma_start3A_125] : memref<2560x2x128xi32, #tpu.memory_space<hbm>> -> memref<1x2x128xi32, #tpu.memory_space<hbm>>
            %dma_start3A_127 = tpu.memref_squeeze %dma_start3A_126 : memref<1x2x128xi32, #tpu.memory_space<hbm>> -> memref<2x128xi32, #tpu.memory_space<hbm>>
            tpu.enqueue_dma source(%dma_start3A_127 : memref<2x128xi32, #tpu.memory_space<hbm>>) target(%arg9 : memref<2x128xi32, #tpu.memory_space<vmem>>) target_semaphore(%arg16 : memref<!tpu.dma_semaphore, #tpu.memory_space<semaphore_mem>>)
          } else {
          }
        } else {
        }
      } else {
      }
      %jit3A_66 = arith.constant 2 : i32
      %eq3A_67 = arith.constant 0 : i32
      %eq3A_68 = arith.cmpi eq, %jit3A_66, %eq3A_67 : i32
      %jit3A_69 = arith.constant 1 : i32
      %select_n3A_70 = arith.select %eq3A_68, %jit3A_69, %jit3A_66 : i32
      %rem3A_71 = arith.remsi %scan3A_53, %select_n3A_70 : i32
      %ne3A_72 = arith.constant 0 : i32
      %ne3A_73 = arith.cmpi ne, %rem3A_71, %ne3A_72 : i32
      %lt3A_74 = arith.constant 0 : i32
      %lt3A_75 = arith.cmpi slt, %rem3A_71, %lt3A_74 : i32
      %lt3A_76 = arith.constant 0 : i32
      %lt3A_77 = arith.cmpi slt, %select_n3A_70, %lt3A_76 : i32
      %ne3A_78 = arith.xori %lt3A_75, %lt3A_77 : i1
      %and3A_79 = arith.andi %ne3A_78, %ne3A_73 : i1
      %add3A_80 = arith.addi %rem3A_71, %select_n3A_70 : i32
      %select_n3A_81 = arith.select %and3A_79, %add3A_80, %rem3A_71 : i32
      %eq3A_82 = arith.constant 1 : i32
      %eq3A_83 = arith.cmpi eq, %select_n3A_81, %eq3A_82 : i32
      %convert_element_type3A_84 = arith.extui %eq3A_83 : i1 to i32
      %cond3A_85 = arith.constant 0 : i32
      %cond3A_86 = arith.cmpi ne, %convert_element_type3A_84, %cond3A_85 : i32
      scf.if %cond3A_86 {
        %dma_wait3A_87 = arith.constant 0 : i32
        %dma_wait3A_88 = arith.constant 0 : i32
        %dma_wait3A_89 = tpu.memref_slice %arg3[%mul3A_2, %dma_wait3A_87, %dma_wait3A_88] : memref<2560x2x128xi32, #tpu.memory_space<hbm>> -> memref<1x2x128xi32, #tpu.memory_space<hbm>>
        %dma_wait3A_90 = tpu.memref_squeeze %dma_wait3A_89 : memref<1x2x128xi32, #tpu.memory_space<hbm>> -> memref<2x128xi32, #tpu.memory_space<hbm>>
        %dma_wait3A_91 = arith.constant 0 : i32
        %dma_wait3A_92 = arith.constant 0 : i32
        %dma_wait3A_93 = tpu.memref_slice %arg3[%mul3A_2, %dma_wait3A_91, %dma_wait3A_92] : memref<2560x2x128xi32, #tpu.memory_space<hbm>> -> memref<1x2x128xi32, #tpu.memory_space<hbm>>
        %dma_wait3A_94 = tpu.memref_squeeze %dma_wait3A_93 : memref<1x2x128xi32, #tpu.memory_space<hbm>> -> memref<2x128xi32, #tpu.memory_space<hbm>>
        tpu.wait_dma2 semaphore(%arg16 : memref<!tpu.dma_semaphore, #tpu.memory_space<semaphore_mem>>) src(%dma_wait3A_94 : memref<2x128xi32, #tpu.memory_space<hbm>>) dst(%arg9 : memref<2x128xi32, #tpu.memory_space<vmem>>)
        %dma_start3A_95 = arith.constant 1 : i32
        %dma_start3A_96 = arith.constant 0 : i32
        %dma_start3A_97 = tpu.memref_slice %arg9[%dma_start3A_95, %dma_start3A_96] : memref<2x128xi32, #tpu.memory_space<vmem>> -> memref<1x128xi32, #tpu.memory_space<vmem>>
        %dma_start3A_98 = tpu.memref_squeeze %dma_start3A_97 : memref<1x128xi32, #tpu.memory_space<vmem>> -> memref<128xi32, #tpu.memory_space<vmem>>
        %dma_start3A_99 = arith.constant 0 : i32
        %dma_start3A_100 = arith.constant 0 : i32
        %dma_start3A_101 = tpu.memref_slice %arg12[%dma_start3A_99, %dma_start3A_100] : memref<10112x128xf32, #tpu.memory_space<vmem_shared>> -> memref<10112x128xf32, #tpu.memory_space<vmem_shared>>
        tpu.enqueue_indirect_dma source(%arg10 : memref<128x128xf32, #tpu.memory_space<vmem>>) target(%dma_start3A_101 : memref<10112x128xf32, #tpu.memory_space<vmem_shared>>) offsets(%dma_start3A_98 : memref<128xi32, #tpu.memory_space<vmem>>) semaphore(%arg14 : memref<!tpu.dma_semaphore, #tpu.memory_space<semaphore_mem>>) {add = true}
        %dma_wait3A_102 = arith.constant 1 : i32
        %dma_wait3A_103 = arith.constant 0 : i32
        %dma_wait3A_104 = tpu.memref_slice %arg8[%dma_wait3A_102, %dma_wait3A_103] : memref<2x128xi32, #tpu.memory_space<vmem>> -> memref<1x128xi32, #tpu.memory_space<vmem>>
        %dma_wait3A_105 = tpu.memref_squeeze %dma_wait3A_104 : memref<1x128xi32, #tpu.memory_space<vmem>> -> memref<128xi32, #tpu.memory_space<vmem>>
        %dma_wait3A_106 = arith.constant 0 : i32
        %dma_wait3A_107 = arith.constant 0 : i32
        %dma_wait3A_108 = tpu.memref_slice %arg12[%dma_wait3A_106, %dma_wait3A_107] : memref<10112x128xf32, #tpu.memory_space<vmem_shared>> -> memref<10112x128xf32, #tpu.memory_space<vmem_shared>>
        tpu.wait_indirect_dma semaphore(%arg13 : memref<!tpu.dma_semaphore, #tpu.memory_space<semaphore_mem>>) src(%arg10 : memref<128x128xf32, #tpu.memory_space<vmem>>) dst(%dma_wait3A_108 : memref<10112x128xf32, #tpu.memory_space<vmem_shared>>)
        %add3A_109 = arith.constant 1 : i32
        %add3A_110 = arith.addi %scan3A_53, %add3A_109 : i32
        %lt3A_111 = arith.constant 80 : i32
        %lt3A_112 = arith.cmpi slt, %add3A_110, %lt3A_111 : i32
        %convert_element_type3A_113 = arith.extui %lt3A_112 : i1 to i32
        %cond3A_114 = arith.constant 0 : i32
        %cond3A_115 = arith.cmpi ne, %convert_element_type3A_113, %cond3A_114 : i32
        scf.if %cond3A_115 {
          %add3A_116 = arith.addi %mul3A_2, %scan3A_53 : i32
          %add3A_117 = arith.constant 1 : i32
          %add3A_118 = arith.addi %add3A_116, %add3A_117 : i32
          %dma_start3A_119 = arith.constant 0 : i32
          %dma_start3A_120 = arith.constant 0 : i32
          %dma_start3A_121 = tpu.memref_slice %arg3[%add3A_118, %dma_start3A_119, %dma_start3A_120] : memref<2560x2x128xi32, #tpu.memory_space<hbm>> -> memref<1x2x128xi32, #tpu.memory_space<hbm>>
          %dma_start3A_122 = tpu.memref_squeeze %dma_start3A_121 : memref<1x2x128xi32, #tpu.memory_space<hbm>> -> memref<2x128xi32, #tpu.memory_space<hbm>>
          %dma_start3A_123 = arith.constant 0 : i32
          %dma_start3A_124 = arith.constant 0 : i32
          %dma_start3A_125 = tpu.memref_slice %arg3[%add3A_118, %dma_start3A_123, %dma_start3A_124] : memref<2560x2x128xi32, #tpu.memory_space<hbm>> -> memref<1x2x128xi32, #tpu.memory_space<hbm>>
          %dma_start3A_126 = tpu.memref_squeeze %dma_start3A_125 : memref<1x2x128xi32, #tpu.memory_space<hbm>> -> memref<2x128xi32, #tpu.memory_space<hbm>>
          tpu.enqueue_dma source(%dma_start3A_126 : memref<2x128xi32, #tpu.memory_space<hbm>>) target(%arg8 : memref<2x128xi32, #tpu.memory_space<vmem>>) target_semaphore(%arg15 : memref<!tpu.dma_semaphore, #tpu.memory_space<semaphore_mem>>)
        } else {
        }
      } else {
      }
    }
    %scan3A_20 = arith.constant 80 : i32
    %dma_wait3A = arith.constant 1 : i32
    %dma_wait3A_21 = arith.constant 0 : i32
    %dma_wait3A_22 = tpu.memref_slice %arg9[%dma_wait3A, %dma_wait3A_21] : memref<2x128xi32, #tpu.memory_space<vmem>> -> memref<1x128xi32, #tpu.memory_space<vmem>>
    %dma_wait3A_23 = tpu.memref_squeeze %dma_wait3A_22 : memref<1x128xi32, #tpu.memory_space<vmem>> -> memref<128xi32, #tpu.memory_space<vmem>>
    %dma_wait3A_24 = arith.constant 0 : i32
    %dma_wait3A_25 = arith.constant 0 : i32
    %dma_wait3A_26 = tpu.memref_slice %arg12[%dma_wait3A_24, %dma_wait3A_25] : memref<10112x128xf32, #tpu.memory_space<vmem_shared>> -> memref<10112x128xf32, #tpu.memory_space<vmem_shared>>
    tpu.wait_indirect_dma semaphore(%arg14 : memref<!tpu.dma_semaphore, #tpu.memory_space<semaphore_mem>>) src(%arg10 : memref<128x128xf32, #tpu.memory_space<vmem>>) dst(%dma_wait3A_26 : memref<10112x128xf32, #tpu.memory_space<vmem_shared>>)
    %barrier3A_27 = arith.constant 0 : index
    tpu.barrier barrier_id(%barrier3A_27)
    "tpu.region"() ({
      %run_scoped3A = tpu.sem_alloc : memref<!tpu.dma_semaphore, #tpu.memory_space<semaphore_mem>>
      %dma_start3A_53 = arith.constant 0 : i32
      %dma_start3A_54 = tpu.memref_slice %arg7[%arg0, %mul3A_6, %dma_start3A_53] : memref<2x10112x128xf32, #tpu.memory_space<hbm>> -> memref<1x632x128xf32, #tpu.memory_space<hbm>>
      %dma_start3A_55 = tpu.memref_squeeze %dma_start3A_54 : memref<1x632x128xf32, #tpu.memory_space<hbm>> -> memref<632x128xf32, #tpu.memory_space<hbm>>
      %dma_start3A_56 = arith.constant 0 : i32
      %dma_start3A_57 = tpu.memref_slice %arg12[%mul3A_6, %dma_start3A_56] : memref<10112x128xf32, #tpu.memory_space<vmem_shared>> -> memref<632x128xf32, #tpu.memory_space<vmem_shared>>
      tpu.enqueue_dma source(%dma_start3A_57 : memref<632x128xf32, #tpu.memory_space<vmem_shared>>) target(%dma_start3A_55 : memref<632x128xf32, #tpu.memory_space<hbm>>) target_semaphore(%run_scoped3A : memref<!tpu.dma_semaphore, #tpu.memory_space<semaphore_mem>>)
      %dma_wait3A_58 = arith.constant 0 : i32
      %dma_wait3A_59 = tpu.memref_slice %arg7[%arg0, %mul3A_6, %dma_wait3A_58] : memref<2x10112x128xf32, #tpu.memory_space<hbm>> -> memref<1x632x128xf32, #tpu.memory_space<hbm>>
      %dma_wait3A_60 = tpu.memref_squeeze %dma_wait3A_59 : memref<1x632x128xf32, #tpu.memory_space<hbm>> -> memref<632x128xf32, #tpu.memory_space<hbm>>
      %dma_wait3A_61 = arith.constant 0 : i32
      %dma_wait3A_62 = tpu.memref_slice %arg12[%mul3A_6, %dma_wait3A_61] : memref<10112x128xf32, #tpu.memory_space<vmem_shared>> -> memref<632x128xf32, #tpu.memory_space<vmem_shared>>
      tpu.wait_dma2 semaphore(%run_scoped3A : memref<!tpu.dma_semaphore, #tpu.memory_space<semaphore_mem>>) src(%dma_wait3A_62 : memref<632x128xf32, #tpu.memory_space<vmem_shared>>) dst(%dma_wait3A_60 : memref<632x128xf32, #tpu.memory_space<hbm>>)
      tpu.yield
    }) : () -> ()
    "tpu.region"() ({
      %run_scoped3A = tpu.sem_alloc : memref<!tpu.dma_semaphore, #tpu.memory_space<semaphore_mem>>
      %dma_start3A_53 = arith.constant 0 : i32
      %dma_start3A_54 = tpu.memref_slice %arg12[%mul3A_4, %dma_start3A_53] : memref<10112x128xf32, #tpu.memory_space<vmem_shared>> -> memref<632x128xf32, #tpu.memory_space<vmem_shared>>
      tpu.enqueue_dma source(%arg4 : memref<632x128xf32, #tpu.memory_space<hbm>>) target(%dma_start3A_54 : memref<632x128xf32, #tpu.memory_space<vmem_shared>>) target_semaphore(%run_scoped3A : memref<!tpu.dma_semaphore, #tpu.memory_space<semaphore_mem>>)
      %dma_wait3A_55 = arith.constant 0 : i32
      %dma_wait3A_56 = tpu.memref_slice %arg12[%mul3A_4, %dma_wait3A_55] : memref<10112x128xf32, #tpu.memory_space<vmem_shared>> -> memref<632x128xf32, #tpu.memory_space<vmem_shared>>
      tpu.wait_dma2 semaphore(%run_scoped3A : memref<!tpu.dma_semaphore, #tpu.memory_space<semaphore_mem>>) src(%arg4 : memref<632x128xf32, #tpu.memory_space<hbm>>) dst(%dma_wait3A_56 : memref<632x128xf32, #tpu.memory_space<vmem_shared>>)
      tpu.yield
    }) : () -> ()
    %barrier3A_28 = arith.constant 0 : index
    tpu.barrier barrier_id(%barrier3A_28)
    "tpu.region"() ({
      %run_scoped3A = tpu.sem_alloc : memref<!tpu.dma_semaphore, #tpu.memory_space<semaphore_mem>>
      %dma_start3A_53 = arith.constant 0 : i32
      %dma_start3A_54 = arith.constant 0 : i32
      %dma_start3A_55 = tpu.memref_slice %arg3[%mul3A_2, %dma_start3A_53, %dma_start3A_54] : memref<2560x2x128xi32, #tpu.memory_space<hbm>> -> memref<1x2x128xi32, #tpu.memory_space<hbm>>
      %dma_start3A_56 = tpu.memref_squeeze %dma_start3A_55 : memref<1x2x128xi32, #tpu.memory_space<hbm>> -> memref<2x128xi32, #tpu.memory_space<hbm>>
      %dma_start3A_57 = arith.constant 0 : i32
      %dma_start3A_58 = arith.constant 0 : i32
      %dma_start3A_59 = tpu.memref_slice %arg3[%mul3A_2, %dma_start3A_57, %dma_start3A_58] : memref<2560x2x128xi32, #tpu.memory_space<hbm>> -> memref<1x2x128xi32, #tpu.memory_space<hbm>>
      %dma_start3A_60 = tpu.memref_squeeze %dma_start3A_59 : memref<1x2x128xi32, #tpu.memory_space<hbm>> -> memref<2x128xi32, #tpu.memory_space<hbm>>
      tpu.enqueue_dma source(%dma_start3A_60 : memref<2x128xi32, #tpu.memory_space<hbm>>) target(%arg8 : memref<2x128xi32, #tpu.memory_space<vmem>>) target_semaphore(%run_scoped3A : memref<!tpu.dma_semaphore, #tpu.memory_space<semaphore_mem>>)
      %dma_wait3A_61 = arith.constant 0 : i32
      %dma_wait3A_62 = arith.constant 0 : i32
      %dma_wait3A_63 = tpu.memref_slice %arg3[%mul3A_2, %dma_wait3A_61, %dma_wait3A_62] : memref<2560x2x128xi32, #tpu.memory_space<hbm>> -> memref<1x2x128xi32, #tpu.memory_space<hbm>>
      %dma_wait3A_64 = tpu.memref_squeeze %dma_wait3A_63 : memref<1x2x128xi32, #tpu.memory_space<hbm>> -> memref<2x128xi32, #tpu.memory_space<hbm>>
      %dma_wait3A_65 = arith.constant 0 : i32
      %dma_wait3A_66 = arith.constant 0 : i32
      %dma_wait3A_67 = tpu.memref_slice %arg3[%mul3A_2, %dma_wait3A_65, %dma_wait3A_66] : memref<2560x2x128xi32, #tpu.memory_space<hbm>> -> memref<1x2x128xi32, #tpu.memory_space<hbm>>
      %dma_wait3A_68 = tpu.memref_squeeze %dma_wait3A_67 : memref<1x2x128xi32, #tpu.memory_space<hbm>> -> memref<2x128xi32, #tpu.memory_space<hbm>>
      tpu.wait_dma2 semaphore(%run_scoped3A : memref<!tpu.dma_semaphore, #tpu.memory_space<semaphore_mem>>) src(%dma_wait3A_68 : memref<2x128xi32, #tpu.memory_space<hbm>>) dst(%arg8 : memref<2x128xi32, #tpu.memory_space<vmem>>)
      tpu.yield
    }) : () -> ()
    %dma_start3A_29 = arith.constant 0 : i32
    %dma_start3A_30 = arith.constant 0 : i32
    %dma_start3A_31 = tpu.memref_slice %arg8[%dma_start3A_29, %dma_start3A_30] : memref<2x128xi32, #tpu.memory_space<vmem>> -> memref<1x128xi32, #tpu.memory_space<vmem>>
    %dma_start3A_32 = tpu.memref_squeeze %dma_start3A_31 : memref<1x128xi32, #tpu.memory_space<vmem>> -> memref<128xi32, #tpu.memory_space<vmem>>
    %dma_start3A_33 = arith.constant 0 : i32
    %dma_start3A_34 = arith.constant 0 : i32
    %dma_start3A_35 = tpu.memref_slice %arg2[%dma_start3A_33, %dma_start3A_34] : memref<240000x128xf32, #tpu.memory_space<hbm>> -> memref<240000x128xf32, #tpu.memory_space<hbm>>
    tpu.enqueue_indirect_dma source(%dma_start3A_35 : memref<240000x128xf32, #tpu.memory_space<hbm>>) target(%arg10 : memref<128x128xf32, #tpu.memory_space<vmem>>) offsets(%dma_start3A_32 : memref<128xi32, #tpu.memory_space<vmem>>) semaphore(%arg13 : memref<!tpu.dma_semaphore, #tpu.memory_space<semaphore_mem>>)
    %add3A_36 = arith.constant 1 : i32
    %add3A_37 = arith.addi %mul3A_2, %add3A_36 : i32
    %dma_start3A_38 = arith.constant 0 : i32
    %dma_start3A_39 = arith.constant 0 : i32
    %dma_start3A_40 = tpu.memref_slice %arg3[%add3A_37, %dma_start3A_38, %dma_start3A_39] : memref<2560x2x128xi32, #tpu.memory_space<hbm>> -> memref<1x2x128xi32, #tpu.memory_space<hbm>>
    %dma_start3A_41 = tpu.memref_squeeze %dma_start3A_40 : memref<1x2x128xi32, #tpu.memory_space<hbm>> -> memref<2x128xi32, #tpu.memory_space<hbm>>
    %dma_start3A_42 = arith.constant 0 : i32
    %dma_start3A_43 = arith.constant 0 : i32
    %dma_start3A_44 = tpu.memref_slice %arg3[%add3A_37, %dma_start3A_42, %dma_start3A_43] : memref<2560x2x128xi32, #tpu.memory_space<hbm>> -> memref<1x2x128xi32, #tpu.memory_space<hbm>>
    %dma_start3A_45 = tpu.memref_squeeze %dma_start3A_44 : memref<1x2x128xi32, #tpu.memory_space<hbm>> -> memref<2x128xi32, #tpu.memory_space<hbm>>
    tpu.enqueue_dma source(%dma_start3A_45 : memref<2x128xi32, #tpu.memory_space<hbm>>) target(%arg9 : memref<2x128xi32, #tpu.memory_space<vmem>>) target_semaphore(%arg16 : memref<!tpu.dma_semaphore, #tpu.memory_space<semaphore_mem>>)
    %scan3A_46 = arith.constant 0 : i32
    %scan3A_47 = arith.constant 0 : i32
    %scan3A_48 = arith.constant 80 : i32
    %scan3A_49 = arith.addi %scan3A_47, %scan3A_48 : i32
    %scan3A_50 = arith.constant 1 : i32
    scf.for %scan3A_53 = %scan3A_47 to %scan3A_49 step %scan3A_50  : i32 {
      %jit3A = arith.constant 2 : i32
      %eq3A = arith.constant 0 : i32
      %eq3A_54 = arith.cmpi eq, %jit3A, %eq3A : i32
      %jit3A_55 = arith.constant 1 : i32
      %select_n3A = arith.select %eq3A_54, %jit3A_55, %jit3A : i32
      %rem3A = arith.remsi %scan3A_53, %select_n3A : i32
      %ne3A = arith.constant 0 : i32
      %ne3A_56 = arith.cmpi ne, %rem3A, %ne3A : i32
      %lt3A = arith.constant 0 : i32
      %lt3A_57 = arith.cmpi slt, %rem3A, %lt3A : i32
      %lt3A_58 = arith.constant 0 : i32
      %lt3A_59 = arith.cmpi slt, %select_n3A, %lt3A_58 : i32
      %ne3A_60 = arith.xori %lt3A_57, %lt3A_59 : i1
      %and3A = arith.andi %ne3A_60, %ne3A_56 : i1
      %add3A_61 = arith.addi %rem3A, %select_n3A : i32
      %select_n3A_62 = arith.select %and3A, %add3A_61, %rem3A : i32
      %eq3A_63 = arith.constant 0 : i32
      %eq3A_64 = arith.cmpi eq, %select_n3A_62, %eq3A_63 : i32
      %convert_element_type3A = arith.extui %eq3A_64 : i1 to i32
      %cond3A = arith.constant 0 : i32
      %cond3A_65 = arith.cmpi ne, %convert_element_type3A, %cond3A : i32
      scf.if %cond3A_65 {
        %dma_wait3A_87 = arith.constant 0 : i32
        %dma_wait3A_88 = arith.constant 0 : i32
        %dma_wait3A_89 = tpu.memref_slice %arg8[%dma_wait3A_87, %dma_wait3A_88] : memref<2x128xi32, #tpu.memory_space<vmem>> -> memref<1x128xi32, #tpu.memory_space<vmem>>
        %dma_wait3A_90 = tpu.memref_squeeze %dma_wait3A_89 : memref<1x128xi32, #tpu.memory_space<vmem>> -> memref<128xi32, #tpu.memory_space<vmem>>
        %dma_wait3A_91 = arith.constant 0 : i32
        %dma_wait3A_92 = arith.constant 0 : i32
        %dma_wait3A_93 = tpu.memref_slice %arg2[%dma_wait3A_91, %dma_wait3A_92] : memref<240000x128xf32, #tpu.memory_space<hbm>> -> memref<240000x128xf32, #tpu.memory_space<hbm>>
        tpu.wait_indirect_dma semaphore(%arg13 : memref<!tpu.dma_semaphore, #tpu.memory_space<semaphore_mem>>) src(%dma_wait3A_93 : memref<240000x128xf32, #tpu.memory_space<hbm>>) dst(%arg10 : memref<128x128xf32, #tpu.memory_space<vmem>>)
        %add3A_94 = arith.constant 1 : i32
        %add3A_95 = arith.addi %scan3A_53, %add3A_94 : i32
        %lt3A_96 = arith.constant 80 : i32
        %lt3A_97 = arith.cmpi slt, %add3A_95, %lt3A_96 : i32
        %convert_element_type3A_98 = arith.extui %lt3A_97 : i1 to i32
        %cond3A_99 = arith.constant 0 : i32
        %cond3A_100 = arith.cmpi ne, %convert_element_type3A_98, %cond3A_99 : i32
        scf.if %cond3A_100 {
          %dma_wait3A_108 = arith.constant 0 : i32
          %dma_wait3A_109 = arith.constant 0 : i32
          %dma_wait3A_110 = tpu.memref_slice %arg3[%mul3A_2, %dma_wait3A_108, %dma_wait3A_109] : memref<2560x2x128xi32, #tpu.memory_space<hbm>> -> memref<1x2x128xi32, #tpu.memory_space<hbm>>
          %dma_wait3A_111 = tpu.memref_squeeze %dma_wait3A_110 : memref<1x2x128xi32, #tpu.memory_space<hbm>> -> memref<2x128xi32, #tpu.memory_space<hbm>>
          %dma_wait3A_112 = arith.constant 0 : i32
          %dma_wait3A_113 = arith.constant 0 : i32
          %dma_wait3A_114 = tpu.memref_slice %arg3[%mul3A_2, %dma_wait3A_112, %dma_wait3A_113] : memref<2560x2x128xi32, #tpu.memory_space<hbm>> -> memref<1x2x128xi32, #tpu.memory_space<hbm>>
          %dma_wait3A_115 = tpu.memref_squeeze %dma_wait3A_114 : memref<1x2x128xi32, #tpu.memory_space<hbm>> -> memref<2x128xi32, #tpu.memory_space<hbm>>
          tpu.wait_dma2 semaphore(%arg16 : memref<!tpu.dma_semaphore, #tpu.memory_space<semaphore_mem>>) src(%dma_wait3A_115 : memref<2x128xi32, #tpu.memory_space<hbm>>) dst(%arg9 : memref<2x128xi32, #tpu.memory_space<vmem>>)
          %dma_start3A_116 = arith.constant 0 : i32
          %dma_start3A_117 = arith.constant 0 : i32
          %dma_start3A_118 = tpu.memref_slice %arg9[%dma_start3A_116, %dma_start3A_117] : memref<2x128xi32, #tpu.memory_space<vmem>> -> memref<1x128xi32, #tpu.memory_space<vmem>>
          %dma_start3A_119 = tpu.memref_squeeze %dma_start3A_118 : memref<1x128xi32, #tpu.memory_space<vmem>> -> memref<128xi32, #tpu.memory_space<vmem>>
          %dma_start3A_120 = arith.constant 0 : i32
          %dma_start3A_121 = arith.constant 0 : i32
          %dma_start3A_122 = tpu.memref_slice %arg2[%dma_start3A_120, %dma_start3A_121] : memref<240000x128xf32, #tpu.memory_space<hbm>> -> memref<240000x128xf32, #tpu.memory_space<hbm>>
          tpu.enqueue_indirect_dma source(%dma_start3A_122 : memref<240000x128xf32, #tpu.memory_space<hbm>>) target(%arg11 : memref<128x128xf32, #tpu.memory_space<vmem>>) offsets(%dma_start3A_119 : memref<128xi32, #tpu.memory_space<vmem>>) semaphore(%arg14 : memref<!tpu.dma_semaphore, #tpu.memory_space<semaphore_mem>>)
        } else {
        }
        %run_scoped3A = arith.constant 1 : i32
        "tpu.region"() ({
          %run_scoped3A_108 = tpu.sem_alloc : memref<!tpu.dma_semaphore, #tpu.memory_space<semaphore_mem>>
          %dma_start3A_109 = arith.constant 0 : i32
          %dma_start3A_110 = tpu.memref_slice %arg8[%run_scoped3A, %dma_start3A_109] : memref<2x128xi32, #tpu.memory_space<vmem>> -> memref<1x128xi32, #tpu.memory_space<vmem>>
          %dma_start3A_111 = tpu.memref_squeeze %dma_start3A_110 : memref<1x128xi32, #tpu.memory_space<vmem>> -> memref<128xi32, #tpu.memory_space<vmem>>
          %dma_start3A_112 = arith.constant 0 : i32
          %dma_start3A_113 = arith.constant 0 : i32
          %dma_start3A_114 = tpu.memref_slice %arg12[%dma_start3A_112, %dma_start3A_113] : memref<10112x128xf32, #tpu.memory_space<vmem_shared>> -> memref<10112x128xf32, #tpu.memory_space<vmem_shared>>
          tpu.enqueue_indirect_dma source(%arg10 : memref<128x128xf32, #tpu.memory_space<vmem>>) target(%dma_start3A_114 : memref<10112x128xf32, #tpu.memory_space<vmem_shared>>) offsets(%dma_start3A_111 : memref<128xi32, #tpu.memory_space<vmem>>) semaphore(%run_scoped3A_108 : memref<!tpu.dma_semaphore, #tpu.memory_space<semaphore_mem>>) {add = true}
          %dma_wait3A_115 = arith.constant 0 : i32
          %dma_wait3A_116 = tpu.memref_slice %arg8[%run_scoped3A, %dma_wait3A_115] : memref<2x128xi32, #tpu.memory_space<vmem>> -> memref<1x128xi32, #tpu.memory_space<vmem>>
          %dma_wait3A_117 = tpu.memref_squeeze %dma_wait3A_116 : memref<1x128xi32, #tpu.memory_space<vmem>> -> memref<128xi32, #tpu.memory_space<vmem>>
          %dma_wait3A_118 = arith.constant 0 : i32
          %dma_wait3A_119 = arith.constant 0 : i32
          %dma_wait3A_120 = tpu.memref_slice %arg12[%dma_wait3A_118, %dma_wait3A_119] : memref<10112x128xf32, #tpu.memory_space<vmem_shared>> -> memref<10112x128xf32, #tpu.memory_space<vmem_shared>>
          tpu.wait_indirect_dma semaphore(%run_scoped3A_108 : memref<!tpu.dma_semaphore, #tpu.memory_space<semaphore_mem>>) src(%arg10 : memref<128x128xf32, #tpu.memory_space<vmem>>) dst(%dma_wait3A_120 : memref<10112x128xf32, #tpu.memory_space<vmem_shared>>)
          tpu.yield
        }) : () -> ()
        %add3A_101 = arith.constant 2 : i32
        %add3A_102 = arith.addi %scan3A_53, %add3A_101 : i32
        %lt3A_103 = arith.constant 80 : i32
        %lt3A_104 = arith.cmpi slt, %add3A_102, %lt3A_103 : i32
        %convert_element_type3A_105 = arith.extui %lt3A_104 : i1 to i32
        %cond3A_106 = arith.constant 0 : i32
        %cond3A_107 = arith.cmpi ne, %convert_element_type3A_105, %cond3A_106 : i32
        scf.if %cond3A_107 {
          %add3A_108 = arith.addi %mul3A_2, %scan3A_53 : i32
          %add3A_109 = arith.constant 2 : i32
          %add3A_110 = arith.addi %add3A_108, %add3A_109 : i32
          %dma_start3A_111 = arith.constant 0 : i32
          %dma_start3A_112 = arith.constant 0 : i32
          %dma_start3A_113 = tpu.memref_slice %arg3[%add3A_110, %dma_start3A_111, %dma_start3A_112] : memref<2560x2x128xi32, #tpu.memory_space<hbm>> -> memref<1x2x128xi32, #tpu.memory_space<hbm>>
          %dma_start3A_114 = tpu.memref_squeeze %dma_start3A_113 : memref<1x2x128xi32, #tpu.memory_space<hbm>> -> memref<2x128xi32, #tpu.memory_space<hbm>>
          %dma_start3A_115 = arith.constant 0 : i32
          %dma_start3A_116 = arith.constant 0 : i32
          %dma_start3A_117 = tpu.memref_slice %arg3[%add3A_110, %dma_start3A_115, %dma_start3A_116] : memref<2560x2x128xi32, #tpu.memory_space<hbm>> -> memref<1x2x128xi32, #tpu.memory_space<hbm>>
          %dma_start3A_118 = tpu.memref_squeeze %dma_start3A_117 : memref<1x2x128xi32, #tpu.memory_space<hbm>> -> memref<2x128xi32, #tpu.memory_space<hbm>>
          tpu.enqueue_dma source(%dma_start3A_118 : memref<2x128xi32, #tpu.memory_space<hbm>>) target(%arg8 : memref<2x128xi32, #tpu.memory_space<vmem>>) target_semaphore(%arg15 : memref<!tpu.dma_semaphore, #tpu.memory_space<semaphore_mem>>)
        } else {
        }
      } else {
      }
      %jit3A_66 = arith.constant 2 : i32
      %eq3A_67 = arith.constant 0 : i32
      %eq3A_68 = arith.cmpi eq, %jit3A_66, %eq3A_67 : i32
      %jit3A_69 = arith.constant 1 : i32
      %select_n3A_70 = arith.select %eq3A_68, %jit3A_69, %jit3A_66 : i32
      %rem3A_71 = arith.remsi %scan3A_53, %select_n3A_70 : i32
      %ne3A_72 = arith.constant 0 : i32
      %ne3A_73 = arith.cmpi ne, %rem3A_71, %ne3A_72 : i32
      %lt3A_74 = arith.constant 0 : i32
      %lt3A_75 = arith.cmpi slt, %rem3A_71, %lt3A_74 : i32
      %lt3A_76 = arith.constant 0 : i32
      %lt3A_77 = arith.cmpi slt, %select_n3A_70, %lt3A_76 : i32
      %ne3A_78 = arith.xori %lt3A_75, %lt3A_77 : i1
      %and3A_79 = arith.andi %ne3A_78, %ne3A_73 : i1
      %add3A_80 = arith.addi %rem3A_71, %select_n3A_70 : i32
      %select_n3A_81 = arith.select %and3A_79, %add3A_80, %rem3A_71 : i32
      %eq3A_82 = arith.constant 1 : i32
      %eq3A_83 = arith.cmpi eq, %select_n3A_81, %eq3A_82 : i32
      %convert_element_type3A_84 = arith.extui %eq3A_83 : i1 to i32
      %cond3A_85 = arith.constant 0 : i32
      %cond3A_86 = arith.cmpi ne, %convert_element_type3A_84, %cond3A_85 : i32
      scf.if %cond3A_86 {
        %dma_wait3A_87 = arith.constant 0 : i32
        %dma_wait3A_88 = arith.constant 0 : i32
        %dma_wait3A_89 = tpu.memref_slice %arg9[%dma_wait3A_87, %dma_wait3A_88] : memref<2x128xi32, #tpu.memory_space<vmem>> -> memref<1x128xi32, #tpu.memory_space<vmem>>
        %dma_wait3A_90 = tpu.memref_squeeze %dma_wait3A_89 : memref<1x128xi32, #tpu.memory_space<vmem>> -> memref<128xi32, #tpu.memory_space<vmem>>
        %dma_wait3A_91 = arith.constant 0 : i32
        %dma_wait3A_92 = arith.constant 0 : i32
        %dma_wait3A_93 = tpu.memref_slice %arg2[%dma_wait3A_91, %dma_wait3A_92] : memref<240000x128xf32, #tpu.memory_space<hbm>> -> memref<240000x128xf32, #tpu.memory_space<hbm>>
        tpu.wait_indirect_dma semaphore(%arg14 : memref<!tpu.dma_semaphore, #tpu.memory_space<semaphore_mem>>) src(%dma_wait3A_93 : memref<240000x128xf32, #tpu.memory_space<hbm>>) dst(%arg11 : memref<128x128xf32, #tpu.memory_space<vmem>>)
        %add3A_94 = arith.constant 1 : i32
        %add3A_95 = arith.addi %scan3A_53, %add3A_94 : i32
        %lt3A_96 = arith.constant 80 : i32
        %lt3A_97 = arith.cmpi slt, %add3A_95, %lt3A_96 : i32
        %convert_element_type3A_98 = arith.extui %lt3A_97 : i1 to i32
        %cond3A_99 = arith.constant 0 : i32
        %cond3A_100 = arith.cmpi ne, %convert_element_type3A_98, %cond3A_99 : i32
        scf.if %cond3A_100 {
          %dma_wait3A_108 = arith.constant 0 : i32
          %dma_wait3A_109 = arith.constant 0 : i32
          %dma_wait3A_110 = tpu.memref_slice %arg3[%mul3A_2, %dma_wait3A_108, %dma_wait3A_109] : memref<2560x2x128xi32, #tpu.memory_space<hbm>> -> memref<1x2x128xi32, #tpu.memory_space<hbm>>
          %dma_wait3A_111 = tpu.memref_squeeze %dma_wait3A_110 : memref<1x2x128xi32, #tpu.memory_space<hbm>> -> memref<2x128xi32, #tpu.memory_space<hbm>>
          %dma_wait3A_112 = arith.constant 0 : i32
          %dma_wait3A_113 = arith.constant 0 : i32
          %dma_wait3A_114 = tpu.memref_slice %arg3[%mul3A_2, %dma_wait3A_112, %dma_wait3A_113] : memref<2560x2x128xi32, #tpu.memory_space<hbm>> -> memref<1x2x128xi32, #tpu.memory_space<hbm>>
          %dma_wait3A_115 = tpu.memref_squeeze %dma_wait3A_114 : memref<1x2x128xi32, #tpu.memory_space<hbm>> -> memref<2x128xi32, #tpu.memory_space<hbm>>
          tpu.wait_dma2 semaphore(%arg15 : memref<!tpu.dma_semaphore, #tpu.memory_space<semaphore_mem>>) src(%dma_wait3A_115 : memref<2x128xi32, #tpu.memory_space<hbm>>) dst(%arg8 : memref<2x128xi32, #tpu.memory_space<vmem>>)
          %dma_start3A_116 = arith.constant 0 : i32
          %dma_start3A_117 = arith.constant 0 : i32
          %dma_start3A_118 = tpu.memref_slice %arg8[%dma_start3A_116, %dma_start3A_117] : memref<2x128xi32, #tpu.memory_space<vmem>> -> memref<1x128xi32, #tpu.memory_space<vmem>>
          %dma_start3A_119 = tpu.memref_squeeze %dma_start3A_118 : memref<1x128xi32, #tpu.memory_space<vmem>> -> memref<128xi32, #tpu.memory_space<vmem>>
          %dma_start3A_120 = arith.constant 0 : i32
          %dma_start3A_121 = arith.constant 0 : i32
          %dma_start3A_122 = tpu.memref_slice %arg2[%dma_start3A_120, %dma_start3A_121] : memref<240000x128xf32, #tpu.memory_space<hbm>> -> memref<240000x128xf32, #tpu.memory_space<hbm>>
          tpu.enqueue_indirect_dma source(%dma_start3A_122 : memref<240000x128xf32, #tpu.memory_space<hbm>>) target(%arg10 : memref<128x128xf32, #tpu.memory_space<vmem>>) offsets(%dma_start3A_119 : memref<128xi32, #tpu.memory_space<vmem>>) semaphore(%arg13 : memref<!tpu.dma_semaphore, #tpu.memory_space<semaphore_mem>>)
        } else {
        }
        %run_scoped3A = arith.constant 1 : i32
        "tpu.region"() ({
          %run_scoped3A_108 = tpu.sem_alloc : memref<!tpu.dma_semaphore, #tpu.memory_space<semaphore_mem>>
          %dma_start3A_109 = arith.constant 0 : i32
          %dma_start3A_110 = tpu.memref_slice %arg9[%run_scoped3A, %dma_start3A_109] : memref<2x128xi32, #tpu.memory_space<vmem>> -> memref<1x128xi32, #tpu.memory_space<vmem>>
          %dma_start3A_111 = tpu.memref_squeeze %dma_start3A_110 : memref<1x128xi32, #tpu.memory_space<vmem>> -> memref<128xi32, #tpu.memory_space<vmem>>
          %dma_start3A_112 = arith.constant 0 : i32
          %dma_start3A_113 = arith.constant 0 : i32
          %dma_start3A_114 = tpu.memref_slice %arg12[%dma_start3A_112, %dma_start3A_113] : memref<10112x128xf32, #tpu.memory_space<vmem_shared>> -> memref<10112x128xf32, #tpu.memory_space<vmem_shared>>
          tpu.enqueue_indirect_dma source(%arg11 : memref<128x128xf32, #tpu.memory_space<vmem>>) target(%dma_start3A_114 : memref<10112x128xf32, #tpu.memory_space<vmem_shared>>) offsets(%dma_start3A_111 : memref<128xi32, #tpu.memory_space<vmem>>) semaphore(%run_scoped3A_108 : memref<!tpu.dma_semaphore, #tpu.memory_space<semaphore_mem>>) {add = true}
          %dma_wait3A_115 = arith.constant 0 : i32
          %dma_wait3A_116 = tpu.memref_slice %arg9[%run_scoped3A, %dma_wait3A_115] : memref<2x128xi32, #tpu.memory_space<vmem>> -> memref<1x128xi32, #tpu.memory_space<vmem>>
          %dma_wait3A_117 = tpu.memref_squeeze %dma_wait3A_116 : memref<1x128xi32, #tpu.memory_space<vmem>> -> memref<128xi32, #tpu.memory_space<vmem>>
          %dma_wait3A_118 = arith.constant 0 : i32
          %dma_wait3A_119 = arith.constant 0 : i32
          %dma_wait3A_120 = tpu.memref_slice %arg12[%dma_wait3A_118, %dma_wait3A_119] : memref<10112x128xf32, #tpu.memory_space<vmem_shared>> -> memref<10112x128xf32, #tpu.memory_space<vmem_shared>>
          tpu.wait_indirect_dma semaphore(%run_scoped3A_108 : memref<!tpu.dma_semaphore, #tpu.memory_space<semaphore_mem>>) src(%arg11 : memref<128x128xf32, #tpu.memory_space<vmem>>) dst(%dma_wait3A_120 : memref<10112x128xf32, #tpu.memory_space<vmem_shared>>)
          tpu.yield
        }) : () -> ()
        %add3A_101 = arith.constant 2 : i32
        %add3A_102 = arith.addi %scan3A_53, %add3A_101 : i32
        %lt3A_103 = arith.constant 80 : i32
        %lt3A_104 = arith.cmpi slt, %add3A_102, %lt3A_103 : i32
        %convert_element_type3A_105 = arith.extui %lt3A_104 : i1 to i32
        %cond3A_106 = arith.constant 0 : i32
        %cond3A_107 = arith.cmpi ne, %convert_element_type3A_105, %cond3A_106 : i32
        scf.if %cond3A_107 {
          %add3A_108 = arith.addi %mul3A_2, %scan3A_53 : i32
          %add3A_109 = arith.constant 2 : i32
          %add3A_110 = arith.addi %add3A_108, %add3A_109 : i32
          %dma_start3A_111 = arith.constant 0 : i32
          %dma_start3A_112 = arith.constant 0 : i32
          %dma_start3A_113 = tpu.memref_slice %arg3[%add3A_110, %dma_start3A_111, %dma_start3A_112] : memref<2560x2x128xi32, #tpu.memory_space<hbm>> -> memref<1x2x128xi32, #tpu.memory_space<hbm>>
          %dma_start3A_114 = tpu.memref_squeeze %dma_start3A_113 : memref<1x2x128xi32, #tpu.memory_space<hbm>> -> memref<2x128xi32, #tpu.memory_space<hbm>>
          %dma_start3A_115 = arith.constant 0 : i32
          %dma_start3A_116 = arith.constant 0 : i32
          %dma_start3A_117 = tpu.memref_slice %arg3[%add3A_110, %dma_start3A_115, %dma_start3A_116] : memref<2560x2x128xi32, #tpu.memory_space<hbm>> -> memref<1x2x128xi32, #tpu.memory_space<hbm>>
          %dma_start3A_118 = tpu.memref_squeeze %dma_start3A_117 : memref<1x2x128xi32, #tpu.memory_space<hbm>> -> memref<2x128xi32, #tpu.memory_space<hbm>>
          tpu.enqueue_dma source(%dma_start3A_118 : memref<2x128xi32, #tpu.memory_space<hbm>>) target(%arg9 : memref<2x128xi32, #tpu.memory_space<vmem>>) target_semaphore(%arg16 : memref<!tpu.dma_semaphore, #tpu.memory_space<semaphore_mem>>)
        } else {
        }
      } else {
      }
    }
    %scan3A_51 = arith.constant 80 : i32
    %barrier3A_52 = arith.constant 0 : index
    tpu.barrier barrier_id(%barrier3A_52)
    "tpu.region"() ({
      %run_scoped3A = tpu.sem_alloc : memref<!tpu.dma_semaphore, #tpu.memory_space<semaphore_mem>>
      %dma_start3A_53 = arith.constant 0 : i32
      %dma_start3A_54 = tpu.memref_slice %arg6[%arg0, %mul3A_6, %dma_start3A_53] : memref<2x10112x128xf32, #tpu.memory_space<hbm>> -> memref<1x632x128xf32, #tpu.memory_space<hbm>>
      %dma_start3A_55 = tpu.memref_squeeze %dma_start3A_54 : memref<1x632x128xf32, #tpu.memory_space<hbm>> -> memref<632x128xf32, #tpu.memory_space<hbm>>
      %dma_start3A_56 = arith.constant 0 : i32
      %dma_start3A_57 = tpu.memref_slice %arg12[%mul3A_6, %dma_start3A_56] : memref<10112x128xf32, #tpu.memory_space<vmem_shared>> -> memref<632x128xf32, #tpu.memory_space<vmem_shared>>
      tpu.enqueue_dma source(%dma_start3A_57 : memref<632x128xf32, #tpu.memory_space<vmem_shared>>) target(%dma_start3A_55 : memref<632x128xf32, #tpu.memory_space<hbm>>) target_semaphore(%run_scoped3A : memref<!tpu.dma_semaphore, #tpu.memory_space<semaphore_mem>>)
      %dma_wait3A_58 = arith.constant 0 : i32
      %dma_wait3A_59 = tpu.memref_slice %arg6[%arg0, %mul3A_6, %dma_wait3A_58] : memref<2x10112x128xf32, #tpu.memory_space<hbm>> -> memref<1x632x128xf32, #tpu.memory_space<hbm>>
      %dma_wait3A_60 = tpu.memref_squeeze %dma_wait3A_59 : memref<1x632x128xf32, #tpu.memory_space<hbm>> -> memref<632x128xf32, #tpu.memory_space<hbm>>
      %dma_wait3A_61 = arith.constant 0 : i32
      %dma_wait3A_62 = tpu.memref_slice %arg12[%mul3A_6, %dma_wait3A_61] : memref<10112x128xf32, #tpu.memory_space<vmem_shared>> -> memref<632x128xf32, #tpu.memory_space<vmem_shared>>
      tpu.wait_dma2 semaphore(%run_scoped3A : memref<!tpu.dma_semaphore, #tpu.memory_space<semaphore_mem>>) src(%dma_wait3A_62 : memref<632x128xf32, #tpu.memory_space<vmem_shared>>) dst(%dma_wait3A_60 : memref<632x128xf32, #tpu.memory_space<hbm>>)
      tpu.yield
    }) : () -> ()
    return
  }
}

#map = affine_map<(d0, d1) -> (0, 0)>
#map1 = affine_map<(d0, d1) -> (0, 0, 0)>
module attributes {stable_mosaic.version = 14 : i64} {
  func.func @k(%arg0: i32, %arg1: i32, %arg2: memref<240000x128xf32, #tpu.memory_space<hbm>>, %arg3: memref<2560x2x128xi32, #tpu.memory_space<hbm>>, %arg4: memref<632x128xf32, #tpu.memory_space<hbm>>, %arg5: memref<128x128xf32, #tpu.memory_space<hbm>>, %arg6: memref<2x10112x128xf32, #tpu.memory_space<hbm>>, %arg7: memref<2x128xi32, #tpu.memory_space<vmem>>, %arg8: memref<2x128xi32, #tpu.memory_space<vmem>>, %arg9: memref<128x128xf32, #tpu.memory_space<vmem>>, %arg10: memref<128x128xf32, #tpu.memory_space<vmem>>, %arg11: memref<10112x128xf32, #tpu.memory_space<vmem_shared>>, %arg12: memref<!tpu.dma_semaphore, #tpu.memory_space<semaphore_mem>>, %arg13: memref<!tpu.dma_semaphore, #tpu.memory_space<semaphore_mem>>, %arg14: memref<!tpu.dma_semaphore, #tpu.memory_space<semaphore_mem>>, %arg15: memref<!tpu.dma_semaphore, #tpu.memory_space<semaphore_mem>>) attributes {dimension_semantics = [#tpu.dimension_semantics<core_parallel>, #tpu.dimension_semantics<subcore_parallel>], iteration_bounds = array<i64: 2, 16>, scalar_prefetch = 0 : i64, scratch_operands = 9 : i64, tpu.core_type = #tpu.core_type<sc_vector_subcore>, window_params = [{transform_indices = #map}, {transform_indices = #map1}, {transform_indices = #map}, {transform_indices = #map}, {transform_indices = #map1}]} {
    %mul3A = arith.constant 16 : i32
    %mul3A_0 = arith.muli %arg0, %mul3A : i32
    %add3A = arith.addi %mul3A_0, %arg1 : i32
    %mul3A_1 = arith.constant 80 : i32
    %mul3A_2 = arith.muli %add3A, %mul3A_1 : i32
    %mul3A_3 = arith.constant 632 : i32
    %mul3A_4 = arith.muli %arg1, %mul3A_3 : i32
    %mul3A_5 = arith.constant 632 : i32
    %mul3A_6 = arith.muli %arg1, %mul3A_5 : i32
    "tpu.region"() ({
      %run_scoped3A = tpu.sem_alloc : memref<!tpu.dma_semaphore, #tpu.memory_space<semaphore_mem>>
      %dma_start3A_29 = arith.constant 0 : i32
      %dma_start3A_30 = tpu.memref_slice %arg11[%mul3A_4, %dma_start3A_29] : memref<10112x128xf32, #tpu.memory_space<vmem_shared>> -> memref<632x128xf32, #tpu.memory_space<vmem_shared>>
      tpu.enqueue_dma source(%arg4 : memref<632x128xf32, #tpu.memory_space<hbm>>) target(%dma_start3A_30 : memref<632x128xf32, #tpu.memory_space<vmem_shared>>) target_semaphore(%run_scoped3A : memref<!tpu.dma_semaphore, #tpu.memory_space<semaphore_mem>>)
      %dma_wait3A = arith.constant 0 : i32
      %dma_wait3A_31 = tpu.memref_slice %arg11[%mul3A_4, %dma_wait3A] : memref<10112x128xf32, #tpu.memory_space<vmem_shared>> -> memref<632x128xf32, #tpu.memory_space<vmem_shared>>
      tpu.wait_dma2 semaphore(%run_scoped3A : memref<!tpu.dma_semaphore, #tpu.memory_space<semaphore_mem>>) src(%arg4 : memref<632x128xf32, #tpu.memory_space<hbm>>) dst(%dma_wait3A_31 : memref<632x128xf32, #tpu.memory_space<vmem_shared>>)
      tpu.yield
    }) : () -> ()
    %barrier3A = arith.constant 0 : index
    tpu.barrier barrier_id(%barrier3A)
    "tpu.region"() ({
      %run_scoped3A = tpu.sem_alloc : memref<!tpu.dma_semaphore, #tpu.memory_space<semaphore_mem>>
      %dma_start3A_29 = arith.constant 0 : i32
      %dma_start3A_30 = arith.constant 0 : i32
      %dma_start3A_31 = tpu.memref_slice %arg3[%mul3A_2, %dma_start3A_29, %dma_start3A_30] : memref<2560x2x128xi32, #tpu.memory_space<hbm>> -> memref<1x2x128xi32, #tpu.memory_space<hbm>>
      %dma_start3A_32 = tpu.memref_squeeze %dma_start3A_31 : memref<1x2x128xi32, #tpu.memory_space<hbm>> -> memref<2x128xi32, #tpu.memory_space<hbm>>
      %dma_start3A_33 = arith.constant 0 : i32
      %dma_start3A_34 = arith.constant 0 : i32
      %dma_start3A_35 = tpu.memref_slice %arg3[%mul3A_2, %dma_start3A_33, %dma_start3A_34] : memref<2560x2x128xi32, #tpu.memory_space<hbm>> -> memref<1x2x128xi32, #tpu.memory_space<hbm>>
      %dma_start3A_36 = tpu.memref_squeeze %dma_start3A_35 : memref<1x2x128xi32, #tpu.memory_space<hbm>> -> memref<2x128xi32, #tpu.memory_space<hbm>>
      tpu.enqueue_dma source(%dma_start3A_36 : memref<2x128xi32, #tpu.memory_space<hbm>>) target(%arg7 : memref<2x128xi32, #tpu.memory_space<vmem>>) target_semaphore(%run_scoped3A : memref<!tpu.dma_semaphore, #tpu.memory_space<semaphore_mem>>)
      %dma_wait3A = arith.constant 0 : i32
      %dma_wait3A_37 = arith.constant 0 : i32
      %dma_wait3A_38 = tpu.memref_slice %arg3[%mul3A_2, %dma_wait3A, %dma_wait3A_37] : memref<2560x2x128xi32, #tpu.memory_space<hbm>> -> memref<1x2x128xi32, #tpu.memory_space<hbm>>
      %dma_wait3A_39 = tpu.memref_squeeze %dma_wait3A_38 : memref<1x2x128xi32, #tpu.memory_space<hbm>> -> memref<2x128xi32, #tpu.memory_space<hbm>>
      %dma_wait3A_40 = arith.constant 0 : i32
      %dma_wait3A_41 = arith.constant 0 : i32
      %dma_wait3A_42 = tpu.memref_slice %arg3[%mul3A_2, %dma_wait3A_40, %dma_wait3A_41] : memref<2560x2x128xi32, #tpu.memory_space<hbm>> -> memref<1x2x128xi32, #tpu.memory_space<hbm>>
      %dma_wait3A_43 = tpu.memref_squeeze %dma_wait3A_42 : memref<1x2x128xi32, #tpu.memory_space<hbm>> -> memref<2x128xi32, #tpu.memory_space<hbm>>
      tpu.wait_dma2 semaphore(%run_scoped3A : memref<!tpu.dma_semaphore, #tpu.memory_space<semaphore_mem>>) src(%dma_wait3A_43 : memref<2x128xi32, #tpu.memory_space<hbm>>) dst(%arg7 : memref<2x128xi32, #tpu.memory_space<vmem>>)
      tpu.yield
    }) : () -> ()
    %dma_start3A = arith.constant 0 : i32
    %dma_start3A_7 = arith.constant 0 : i32
    %dma_start3A_8 = tpu.memref_slice %arg7[%dma_start3A, %dma_start3A_7] : memref<2x128xi32, #tpu.memory_space<vmem>> -> memref<1x128xi32, #tpu.memory_space<vmem>>
    %dma_start3A_9 = tpu.memref_squeeze %dma_start3A_8 : memref<1x128xi32, #tpu.memory_space<vmem>> -> memref<128xi32, #tpu.memory_space<vmem>>
    %dma_start3A_10 = arith.constant 0 : i32
    %dma_start3A_11 = arith.constant 0 : i32
    %dma_start3A_12 = tpu.memref_slice %arg2[%dma_start3A_10, %dma_start3A_11] : memref<240000x128xf32, #tpu.memory_space<hbm>> -> memref<240000x128xf32, #tpu.memory_space<hbm>>
    tpu.enqueue_indirect_dma source(%dma_start3A_12 : memref<240000x128xf32, #tpu.memory_space<hbm>>) target(%arg9 : memref<128x128xf32, #tpu.memory_space<vmem>>) offsets(%dma_start3A_9 : memref<128xi32, #tpu.memory_space<vmem>>) semaphore(%arg12 : memref<!tpu.dma_semaphore, #tpu.memory_space<semaphore_mem>>)
    %add3A_13 = arith.constant 1 : i32
    %add3A_14 = arith.addi %mul3A_2, %add3A_13 : i32
    %dma_start3A_15 = arith.constant 0 : i32
    %dma_start3A_16 = arith.constant 0 : i32
    %dma_start3A_17 = tpu.memref_slice %arg3[%add3A_14, %dma_start3A_15, %dma_start3A_16] : memref<2560x2x128xi32, #tpu.memory_space<hbm>> -> memref<1x2x128xi32, #tpu.memory_space<hbm>>
    %dma_start3A_18 = tpu.memref_squeeze %dma_start3A_17 : memref<1x2x128xi32, #tpu.memory_space<hbm>> -> memref<2x128xi32, #tpu.memory_space<hbm>>
    %dma_start3A_19 = arith.constant 0 : i32
    %dma_start3A_20 = arith.constant 0 : i32
    %dma_start3A_21 = tpu.memref_slice %arg3[%add3A_14, %dma_start3A_19, %dma_start3A_20] : memref<2560x2x128xi32, #tpu.memory_space<hbm>> -> memref<1x2x128xi32, #tpu.memory_space<hbm>>
    %dma_start3A_22 = tpu.memref_squeeze %dma_start3A_21 : memref<1x2x128xi32, #tpu.memory_space<hbm>> -> memref<2x128xi32, #tpu.memory_space<hbm>>
    tpu.enqueue_dma source(%dma_start3A_22 : memref<2x128xi32, #tpu.memory_space<hbm>>) target(%arg8 : memref<2x128xi32, #tpu.memory_space<vmem>>) target_semaphore(%arg15 : memref<!tpu.dma_semaphore, #tpu.memory_space<semaphore_mem>>)
    %scan3A = arith.constant 0 : i32
    %scan3A_23 = arith.constant 0 : i32
    %scan3A_24 = arith.constant 80 : i32
    %scan3A_25 = arith.addi %scan3A_23, %scan3A_24 : i32
    %scan3A_26 = arith.constant 1 : i32
    scf.for %scan3A_29 = %scan3A_23 to %scan3A_25 step %scan3A_26  : i32 {
      %jit3A = arith.constant 2 : i32
      %eq3A = arith.constant 0 : i32
      %eq3A_30 = arith.cmpi eq, %jit3A, %eq3A : i32
      %jit3A_31 = arith.constant 1 : i32
      %select_n3A = arith.select %eq3A_30, %jit3A_31, %jit3A : i32
      %rem3A = arith.remsi %scan3A_29, %select_n3A : i32
      %ne3A = arith.constant 0 : i32
      %ne3A_32 = arith.cmpi ne, %rem3A, %ne3A : i32
      %lt3A = arith.constant 0 : i32
      %lt3A_33 = arith.cmpi slt, %rem3A, %lt3A : i32
      %lt3A_34 = arith.constant 0 : i32
      %lt3A_35 = arith.cmpi slt, %select_n3A, %lt3A_34 : i32
      %ne3A_36 = arith.xori %lt3A_33, %lt3A_35 : i1
      %and3A = arith.andi %ne3A_36, %ne3A_32 : i1
      %add3A_37 = arith.addi %rem3A, %select_n3A : i32
      %select_n3A_38 = arith.select %and3A, %add3A_37, %rem3A : i32
      %eq3A_39 = arith.constant 0 : i32
      %eq3A_40 = arith.cmpi eq, %select_n3A_38, %eq3A_39 : i32
      %convert_element_type3A = arith.extui %eq3A_40 : i1 to i32
      %cond3A = arith.constant 0 : i32
      %cond3A_41 = arith.cmpi ne, %convert_element_type3A, %cond3A : i32
      scf.if %cond3A_41 {
        %dma_wait3A = arith.constant 0 : i32
        %dma_wait3A_63 = arith.constant 0 : i32
        %dma_wait3A_64 = tpu.memref_slice %arg7[%dma_wait3A, %dma_wait3A_63] : memref<2x128xi32, #tpu.memory_space<vmem>> -> memref<1x128xi32, #tpu.memory_space<vmem>>
        %dma_wait3A_65 = tpu.memref_squeeze %dma_wait3A_64 : memref<1x128xi32, #tpu.memory_space<vmem>> -> memref<128xi32, #tpu.memory_space<vmem>>
        %dma_wait3A_66 = arith.constant 0 : i32
        %dma_wait3A_67 = arith.constant 0 : i32
        %dma_wait3A_68 = tpu.memref_slice %arg2[%dma_wait3A_66, %dma_wait3A_67] : memref<240000x128xf32, #tpu.memory_space<hbm>> -> memref<240000x128xf32, #tpu.memory_space<hbm>>
        tpu.wait_indirect_dma semaphore(%arg12 : memref<!tpu.dma_semaphore, #tpu.memory_space<semaphore_mem>>) src(%dma_wait3A_68 : memref<240000x128xf32, #tpu.memory_space<hbm>>) dst(%arg9 : memref<128x128xf32, #tpu.memory_space<vmem>>)
        %add3A_69 = arith.constant 1 : i32
        %add3A_70 = arith.addi %scan3A_29, %add3A_69 : i32
        %lt3A_71 = arith.constant 80 : i32
        %lt3A_72 = arith.cmpi slt, %add3A_70, %lt3A_71 : i32
        %convert_element_type3A_73 = arith.extui %lt3A_72 : i1 to i32
        %cond3A_74 = arith.constant 0 : i32
        %cond3A_75 = arith.cmpi ne, %convert_element_type3A_73, %cond3A_74 : i32
        scf.if %cond3A_75 {
          %dma_wait3A_83 = arith.constant 0 : i32
          %dma_wait3A_84 = arith.constant 0 : i32
          %dma_wait3A_85 = tpu.memref_slice %arg3[%mul3A_2, %dma_wait3A_83, %dma_wait3A_84] : memref<2560x2x128xi32, #tpu.memory_space<hbm>> -> memref<1x2x128xi32, #tpu.memory_space<hbm>>
          %dma_wait3A_86 = tpu.memref_squeeze %dma_wait3A_85 : memref<1x2x128xi32, #tpu.memory_space<hbm>> -> memref<2x128xi32, #tpu.memory_space<hbm>>
          %dma_wait3A_87 = arith.constant 0 : i32
          %dma_wait3A_88 = arith.constant 0 : i32
          %dma_wait3A_89 = tpu.memref_slice %arg3[%mul3A_2, %dma_wait3A_87, %dma_wait3A_88] : memref<2560x2x128xi32, #tpu.memory_space<hbm>> -> memref<1x2x128xi32, #tpu.memory_space<hbm>>
          %dma_wait3A_90 = tpu.memref_squeeze %dma_wait3A_89 : memref<1x2x128xi32, #tpu.memory_space<hbm>> -> memref<2x128xi32, #tpu.memory_space<hbm>>
          tpu.wait_dma2 semaphore(%arg15 : memref<!tpu.dma_semaphore, #tpu.memory_space<semaphore_mem>>) src(%dma_wait3A_90 : memref<2x128xi32, #tpu.memory_space<hbm>>) dst(%arg8 : memref<2x128xi32, #tpu.memory_space<vmem>>)
          %dma_start3A_91 = arith.constant 0 : i32
          %dma_start3A_92 = arith.constant 0 : i32
          %dma_start3A_93 = tpu.memref_slice %arg8[%dma_start3A_91, %dma_start3A_92] : memref<2x128xi32, #tpu.memory_space<vmem>> -> memref<1x128xi32, #tpu.memory_space<vmem>>
          %dma_start3A_94 = tpu.memref_squeeze %dma_start3A_93 : memref<1x128xi32, #tpu.memory_space<vmem>> -> memref<128xi32, #tpu.memory_space<vmem>>
          %dma_start3A_95 = arith.constant 0 : i32
          %dma_start3A_96 = arith.constant 0 : i32
          %dma_start3A_97 = tpu.memref_slice %arg2[%dma_start3A_95, %dma_start3A_96] : memref<240000x128xf32, #tpu.memory_space<hbm>> -> memref<240000x128xf32, #tpu.memory_space<hbm>>
          tpu.enqueue_indirect_dma source(%dma_start3A_97 : memref<240000x128xf32, #tpu.memory_space<hbm>>) target(%arg10 : memref<128x128xf32, #tpu.memory_space<vmem>>) offsets(%dma_start3A_94 : memref<128xi32, #tpu.memory_space<vmem>>) semaphore(%arg13 : memref<!tpu.dma_semaphore, #tpu.memory_space<semaphore_mem>>)
        } else {
        }
        %run_scoped3A = arith.constant 1 : i32
        "tpu.region"() ({
          %run_scoped3A_83 = tpu.sem_alloc : memref<!tpu.dma_semaphore, #tpu.memory_space<semaphore_mem>>
          %dma_start3A_84 = arith.constant 0 : i32
          %dma_start3A_85 = tpu.memref_slice %arg7[%run_scoped3A, %dma_start3A_84] : memref<2x128xi32, #tpu.memory_space<vmem>> -> memref<1x128xi32, #tpu.memory_space<vmem>>
          %dma_start3A_86 = tpu.memref_squeeze %dma_start3A_85 : memref<1x128xi32, #tpu.memory_space<vmem>> -> memref<128xi32, #tpu.memory_space<vmem>>
          %dma_start3A_87 = arith.constant 0 : i32
          %dma_start3A_88 = arith.constant 0 : i32
          %dma_start3A_89 = tpu.memref_slice %arg11[%dma_start3A_87, %dma_start3A_88] : memref<10112x128xf32, #tpu.memory_space<vmem_shared>> -> memref<10112x128xf32, #tpu.memory_space<vmem_shared>>
          tpu.enqueue_indirect_dma source(%arg9 : memref<128x128xf32, #tpu.memory_space<vmem>>) target(%dma_start3A_89 : memref<10112x128xf32, #tpu.memory_space<vmem_shared>>) offsets(%dma_start3A_86 : memref<128xi32, #tpu.memory_space<vmem>>) semaphore(%run_scoped3A_83 : memref<!tpu.dma_semaphore, #tpu.memory_space<semaphore_mem>>) {add = true}
          %dma_wait3A_90 = arith.constant 0 : i32
          %dma_wait3A_91 = tpu.memref_slice %arg7[%run_scoped3A, %dma_wait3A_90] : memref<2x128xi32, #tpu.memory_space<vmem>> -> memref<1x128xi32, #tpu.memory_space<vmem>>
          %dma_wait3A_92 = tpu.memref_squeeze %dma_wait3A_91 : memref<1x128xi32, #tpu.memory_space<vmem>> -> memref<128xi32, #tpu.memory_space<vmem>>
          %dma_wait3A_93 = arith.constant 0 : i32
          %dma_wait3A_94 = arith.constant 0 : i32
          %dma_wait3A_95 = tpu.memref_slice %arg11[%dma_wait3A_93, %dma_wait3A_94] : memref<10112x128xf32, #tpu.memory_space<vmem_shared>> -> memref<10112x128xf32, #tpu.memory_space<vmem_shared>>
          tpu.wait_indirect_dma semaphore(%run_scoped3A_83 : memref<!tpu.dma_semaphore, #tpu.memory_space<semaphore_mem>>) src(%arg9 : memref<128x128xf32, #tpu.memory_space<vmem>>) dst(%dma_wait3A_95 : memref<10112x128xf32, #tpu.memory_space<vmem_shared>>)
          tpu.yield
        }) : () -> ()
        %add3A_76 = arith.constant 2 : i32
        %add3A_77 = arith.addi %scan3A_29, %add3A_76 : i32
        %lt3A_78 = arith.constant 80 : i32
        %lt3A_79 = arith.cmpi slt, %add3A_77, %lt3A_78 : i32
        %convert_element_type3A_80 = arith.extui %lt3A_79 : i1 to i32
        %cond3A_81 = arith.constant 0 : i32
        %cond3A_82 = arith.cmpi ne, %convert_element_type3A_80, %cond3A_81 : i32
        scf.if %cond3A_82 {
          %add3A_83 = arith.addi %mul3A_2, %scan3A_29 : i32
          %add3A_84 = arith.constant 2 : i32
          %add3A_85 = arith.addi %add3A_83, %add3A_84 : i32
          %dma_start3A_86 = arith.constant 0 : i32
          %dma_start3A_87 = arith.constant 0 : i32
          %dma_start3A_88 = tpu.memref_slice %arg3[%add3A_85, %dma_start3A_86, %dma_start3A_87] : memref<2560x2x128xi32, #tpu.memory_space<hbm>> -> memref<1x2x128xi32, #tpu.memory_space<hbm>>
          %dma_start3A_89 = tpu.memref_squeeze %dma_start3A_88 : memref<1x2x128xi32, #tpu.memory_space<hbm>> -> memref<2x128xi32, #tpu.memory_space<hbm>>
          %dma_start3A_90 = arith.constant 0 : i32
          %dma_start3A_91 = arith.constant 0 : i32
          %dma_start3A_92 = tpu.memref_slice %arg3[%add3A_85, %dma_start3A_90, %dma_start3A_91] : memref<2560x2x128xi32, #tpu.memory_space<hbm>> -> memref<1x2x128xi32, #tpu.memory_space<hbm>>
          %dma_start3A_93 = tpu.memref_squeeze %dma_start3A_92 : memref<1x2x128xi32, #tpu.memory_space<hbm>> -> memref<2x128xi32, #tpu.memory_space<hbm>>
          tpu.enqueue_dma source(%dma_start3A_93 : memref<2x128xi32, #tpu.memory_space<hbm>>) target(%arg7 : memref<2x128xi32, #tpu.memory_space<vmem>>) target_semaphore(%arg14 : memref<!tpu.dma_semaphore, #tpu.memory_space<semaphore_mem>>)
        } else {
        }
      } else {
      }
      %jit3A_42 = arith.constant 2 : i32
      %eq3A_43 = arith.constant 0 : i32
      %eq3A_44 = arith.cmpi eq, %jit3A_42, %eq3A_43 : i32
      %jit3A_45 = arith.constant 1 : i32
      %select_n3A_46 = arith.select %eq3A_44, %jit3A_45, %jit3A_42 : i32
      %rem3A_47 = arith.remsi %scan3A_29, %select_n3A_46 : i32
      %ne3A_48 = arith.constant 0 : i32
      %ne3A_49 = arith.cmpi ne, %rem3A_47, %ne3A_48 : i32
      %lt3A_50 = arith.constant 0 : i32
      %lt3A_51 = arith.cmpi slt, %rem3A_47, %lt3A_50 : i32
      %lt3A_52 = arith.constant 0 : i32
      %lt3A_53 = arith.cmpi slt, %select_n3A_46, %lt3A_52 : i32
      %ne3A_54 = arith.xori %lt3A_51, %lt3A_53 : i1
      %and3A_55 = arith.andi %ne3A_54, %ne3A_49 : i1
      %add3A_56 = arith.addi %rem3A_47, %select_n3A_46 : i32
      %select_n3A_57 = arith.select %and3A_55, %add3A_56, %rem3A_47 : i32
      %eq3A_58 = arith.constant 1 : i32
      %eq3A_59 = arith.cmpi eq, %select_n3A_57, %eq3A_58 : i32
      %convert_element_type3A_60 = arith.extui %eq3A_59 : i1 to i32
      %cond3A_61 = arith.constant 0 : i32
      %cond3A_62 = arith.cmpi ne, %convert_element_type3A_60, %cond3A_61 : i32
      scf.if %cond3A_62 {
        %dma_wait3A = arith.constant 0 : i32
        %dma_wait3A_63 = arith.constant 0 : i32
        %dma_wait3A_64 = tpu.memref_slice %arg8[%dma_wait3A, %dma_wait3A_63] : memref<2x128xi32, #tpu.memory_space<vmem>> -> memref<1x128xi32, #tpu.memory_space<vmem>>
        %dma_wait3A_65 = tpu.memref_squeeze %dma_wait3A_64 : memref<1x128xi32, #tpu.memory_space<vmem>> -> memref<128xi32, #tpu.memory_space<vmem>>
        %dma_wait3A_66 = arith.constant 0 : i32
        %dma_wait3A_67 = arith.constant 0 : i32
        %dma_wait3A_68 = tpu.memref_slice %arg2[%dma_wait3A_66, %dma_wait3A_67] : memref<240000x128xf32, #tpu.memory_space<hbm>> -> memref<240000x128xf32, #tpu.memory_space<hbm>>
        tpu.wait_indirect_dma semaphore(%arg13 : memref<!tpu.dma_semaphore, #tpu.memory_space<semaphore_mem>>) src(%dma_wait3A_68 : memref<240000x128xf32, #tpu.memory_space<hbm>>) dst(%arg10 : memref<128x128xf32, #tpu.memory_space<vmem>>)
        %add3A_69 = arith.constant 1 : i32
        %add3A_70 = arith.addi %scan3A_29, %add3A_69 : i32
        %lt3A_71 = arith.constant 80 : i32
        %lt3A_72 = arith.cmpi slt, %add3A_70, %lt3A_71 : i32
        %convert_element_type3A_73 = arith.extui %lt3A_72 : i1 to i32
        %cond3A_74 = arith.constant 0 : i32
        %cond3A_75 = arith.cmpi ne, %convert_element_type3A_73, %cond3A_74 : i32
        scf.if %cond3A_75 {
          %dma_wait3A_83 = arith.constant 0 : i32
          %dma_wait3A_84 = arith.constant 0 : i32
          %dma_wait3A_85 = tpu.memref_slice %arg3[%mul3A_2, %dma_wait3A_83, %dma_wait3A_84] : memref<2560x2x128xi32, #tpu.memory_space<hbm>> -> memref<1x2x128xi32, #tpu.memory_space<hbm>>
          %dma_wait3A_86 = tpu.memref_squeeze %dma_wait3A_85 : memref<1x2x128xi32, #tpu.memory_space<hbm>> -> memref<2x128xi32, #tpu.memory_space<hbm>>
          %dma_wait3A_87 = arith.constant 0 : i32
          %dma_wait3A_88 = arith.constant 0 : i32
          %dma_wait3A_89 = tpu.memref_slice %arg3[%mul3A_2, %dma_wait3A_87, %dma_wait3A_88] : memref<2560x2x128xi32, #tpu.memory_space<hbm>> -> memref<1x2x128xi32, #tpu.memory_space<hbm>>
          %dma_wait3A_90 = tpu.memref_squeeze %dma_wait3A_89 : memref<1x2x128xi32, #tpu.memory_space<hbm>> -> memref<2x128xi32, #tpu.memory_space<hbm>>
          tpu.wait_dma2 semaphore(%arg14 : memref<!tpu.dma_semaphore, #tpu.memory_space<semaphore_mem>>) src(%dma_wait3A_90 : memref<2x128xi32, #tpu.memory_space<hbm>>) dst(%arg7 : memref<2x128xi32, #tpu.memory_space<vmem>>)
          %dma_start3A_91 = arith.constant 0 : i32
          %dma_start3A_92 = arith.constant 0 : i32
          %dma_start3A_93 = tpu.memref_slice %arg7[%dma_start3A_91, %dma_start3A_92] : memref<2x128xi32, #tpu.memory_space<vmem>> -> memref<1x128xi32, #tpu.memory_space<vmem>>
          %dma_start3A_94 = tpu.memref_squeeze %dma_start3A_93 : memref<1x128xi32, #tpu.memory_space<vmem>> -> memref<128xi32, #tpu.memory_space<vmem>>
          %dma_start3A_95 = arith.constant 0 : i32
          %dma_start3A_96 = arith.constant 0 : i32
          %dma_start3A_97 = tpu.memref_slice %arg2[%dma_start3A_95, %dma_start3A_96] : memref<240000x128xf32, #tpu.memory_space<hbm>> -> memref<240000x128xf32, #tpu.memory_space<hbm>>
          tpu.enqueue_indirect_dma source(%dma_start3A_97 : memref<240000x128xf32, #tpu.memory_space<hbm>>) target(%arg9 : memref<128x128xf32, #tpu.memory_space<vmem>>) offsets(%dma_start3A_94 : memref<128xi32, #tpu.memory_space<vmem>>) semaphore(%arg12 : memref<!tpu.dma_semaphore, #tpu.memory_space<semaphore_mem>>)
        } else {
        }
        %run_scoped3A = arith.constant 1 : i32
        "tpu.region"() ({
          %run_scoped3A_83 = tpu.sem_alloc : memref<!tpu.dma_semaphore, #tpu.memory_space<semaphore_mem>>
          %dma_start3A_84 = arith.constant 0 : i32
          %dma_start3A_85 = tpu.memref_slice %arg8[%run_scoped3A, %dma_start3A_84] : memref<2x128xi32, #tpu.memory_space<vmem>> -> memref<1x128xi32, #tpu.memory_space<vmem>>
          %dma_start3A_86 = tpu.memref_squeeze %dma_start3A_85 : memref<1x128xi32, #tpu.memory_space<vmem>> -> memref<128xi32, #tpu.memory_space<vmem>>
          %dma_start3A_87 = arith.constant 0 : i32
          %dma_start3A_88 = arith.constant 0 : i32
          %dma_start3A_89 = tpu.memref_slice %arg11[%dma_start3A_87, %dma_start3A_88] : memref<10112x128xf32, #tpu.memory_space<vmem_shared>> -> memref<10112x128xf32, #tpu.memory_space<vmem_shared>>
          tpu.enqueue_indirect_dma source(%arg10 : memref<128x128xf32, #tpu.memory_space<vmem>>) target(%dma_start3A_89 : memref<10112x128xf32, #tpu.memory_space<vmem_shared>>) offsets(%dma_start3A_86 : memref<128xi32, #tpu.memory_space<vmem>>) semaphore(%run_scoped3A_83 : memref<!tpu.dma_semaphore, #tpu.memory_space<semaphore_mem>>) {add = true}
          %dma_wait3A_90 = arith.constant 0 : i32
          %dma_wait3A_91 = tpu.memref_slice %arg8[%run_scoped3A, %dma_wait3A_90] : memref<2x128xi32, #tpu.memory_space<vmem>> -> memref<1x128xi32, #tpu.memory_space<vmem>>
          %dma_wait3A_92 = tpu.memref_squeeze %dma_wait3A_91 : memref<1x128xi32, #tpu.memory_space<vmem>> -> memref<128xi32, #tpu.memory_space<vmem>>
          %dma_wait3A_93 = arith.constant 0 : i32
          %dma_wait3A_94 = arith.constant 0 : i32
          %dma_wait3A_95 = tpu.memref_slice %arg11[%dma_wait3A_93, %dma_wait3A_94] : memref<10112x128xf32, #tpu.memory_space<vmem_shared>> -> memref<10112x128xf32, #tpu.memory_space<vmem_shared>>
          tpu.wait_indirect_dma semaphore(%run_scoped3A_83 : memref<!tpu.dma_semaphore, #tpu.memory_space<semaphore_mem>>) src(%arg10 : memref<128x128xf32, #tpu.memory_space<vmem>>) dst(%dma_wait3A_95 : memref<10112x128xf32, #tpu.memory_space<vmem_shared>>)
          tpu.yield
        }) : () -> ()
        %add3A_76 = arith.constant 2 : i32
        %add3A_77 = arith.addi %scan3A_29, %add3A_76 : i32
        %lt3A_78 = arith.constant 80 : i32
        %lt3A_79 = arith.cmpi slt, %add3A_77, %lt3A_78 : i32
        %convert_element_type3A_80 = arith.extui %lt3A_79 : i1 to i32
        %cond3A_81 = arith.constant 0 : i32
        %cond3A_82 = arith.cmpi ne, %convert_element_type3A_80, %cond3A_81 : i32
        scf.if %cond3A_82 {
          %add3A_83 = arith.addi %mul3A_2, %scan3A_29 : i32
          %add3A_84 = arith.constant 2 : i32
          %add3A_85 = arith.addi %add3A_83, %add3A_84 : i32
          %dma_start3A_86 = arith.constant 0 : i32
          %dma_start3A_87 = arith.constant 0 : i32
          %dma_start3A_88 = tpu.memref_slice %arg3[%add3A_85, %dma_start3A_86, %dma_start3A_87] : memref<2560x2x128xi32, #tpu.memory_space<hbm>> -> memref<1x2x128xi32, #tpu.memory_space<hbm>>
          %dma_start3A_89 = tpu.memref_squeeze %dma_start3A_88 : memref<1x2x128xi32, #tpu.memory_space<hbm>> -> memref<2x128xi32, #tpu.memory_space<hbm>>
          %dma_start3A_90 = arith.constant 0 : i32
          %dma_start3A_91 = arith.constant 0 : i32
          %dma_start3A_92 = tpu.memref_slice %arg3[%add3A_85, %dma_start3A_90, %dma_start3A_91] : memref<2560x2x128xi32, #tpu.memory_space<hbm>> -> memref<1x2x128xi32, #tpu.memory_space<hbm>>
          %dma_start3A_93 = tpu.memref_squeeze %dma_start3A_92 : memref<1x2x128xi32, #tpu.memory_space<hbm>> -> memref<2x128xi32, #tpu.memory_space<hbm>>
          tpu.enqueue_dma source(%dma_start3A_93 : memref<2x128xi32, #tpu.memory_space<hbm>>) target(%arg8 : memref<2x128xi32, #tpu.memory_space<vmem>>) target_semaphore(%arg15 : memref<!tpu.dma_semaphore, #tpu.memory_space<semaphore_mem>>)
        } else {
        }
      } else {
      }
    }
    %scan3A_27 = arith.constant 80 : i32
    %barrier3A_28 = arith.constant 0 : index
    tpu.barrier barrier_id(%barrier3A_28)
    "tpu.region"() ({
      %run_scoped3A = tpu.sem_alloc : memref<!tpu.dma_semaphore, #tpu.memory_space<semaphore_mem>>
      %dma_start3A_29 = arith.constant 0 : i32
      %dma_start3A_30 = tpu.memref_slice %arg6[%arg0, %mul3A_6, %dma_start3A_29] : memref<2x10112x128xf32, #tpu.memory_space<hbm>> -> memref<1x632x128xf32, #tpu.memory_space<hbm>>
      %dma_start3A_31 = tpu.memref_squeeze %dma_start3A_30 : memref<1x632x128xf32, #tpu.memory_space<hbm>> -> memref<632x128xf32, #tpu.memory_space<hbm>>
      %dma_start3A_32 = arith.constant 0 : i32
      %dma_start3A_33 = tpu.memref_slice %arg11[%mul3A_6, %dma_start3A_32] : memref<10112x128xf32, #tpu.memory_space<vmem_shared>> -> memref<632x128xf32, #tpu.memory_space<vmem_shared>>
      tpu.enqueue_dma source(%dma_start3A_33 : memref<632x128xf32, #tpu.memory_space<vmem_shared>>) target(%dma_start3A_31 : memref<632x128xf32, #tpu.memory_space<hbm>>) target_semaphore(%run_scoped3A : memref<!tpu.dma_semaphore, #tpu.memory_space<semaphore_mem>>)
      %dma_wait3A = arith.constant 0 : i32
      %dma_wait3A_34 = tpu.memref_slice %arg6[%arg0, %mul3A_6, %dma_wait3A] : memref<2x10112x128xf32, #tpu.memory_space<hbm>> -> memref<1x632x128xf32, #tpu.memory_space<hbm>>
      %dma_wait3A_35 = tpu.memref_squeeze %dma_wait3A_34 : memref<1x632x128xf32, #tpu.memory_space<hbm>> -> memref<632x128xf32, #tpu.memory_space<hbm>>
      %dma_wait3A_36 = arith.constant 0 : i32
      %dma_wait3A_37 = tpu.memref_slice %arg11[%mul3A_6, %dma_wait3A_36] : memref<10112x128xf32, #tpu.memory_space<vmem_shared>> -> memref<632x128xf32, #tpu.memory_space<vmem_shared>>
      tpu.wait_dma2 semaphore(%run_scoped3A : memref<!tpu.dma_semaphore, #tpu.memory_space<semaphore_mem>>) src(%dma_wait3A_37 : memref<632x128xf32, #tpu.memory_space<vmem_shared>>) dst(%dma_wait3A_35 : memref<632x128xf32, #tpu.memory_space<hbm>>)
      tpu.yield
    }) : () -> ()
    return
  }
}

module attributes {stable_mosaic.version = 14 : i64} {
  func.func @_l1_body(%arg0: i32, %arg1: i32, %arg2: memref<2000x128xf32, #tpu.memory_space<vmem>>, %arg3: memref<1x128x128xf32, #tpu.memory_space<vmem>>, %arg4: memref<1x2000x128xf32, #tpu.memory_space<vmem>>) attributes {dimension_semantics = [#tpu.dimension_semantics<arbitrary>, #tpu.dimension_semantics<arbitrary>], iteration_bounds = array<i64: 5, 24>, scalar_prefetch = 0 : i64, scratch_operands = 0 : i64, tpu.core_type = #tpu.core_type<tc>, window_params = [{transform_indices = @transform_0, window_bounds = array<i64: 2000, 128>}, {transform_indices = @transform_1, window_bounds = array<i64: 1, 128, 128>}, {transform_indices = @transform_2, window_bounds = array<i64: 1, 2000, 128>}]} {
    %get3A = arith.constant 0 : index
    %get3A_0 = arith.constant 0 : index
    %get3A_1 = vector.load %arg2[%get3A, %get3A_0] : memref<2000x128xf32, #tpu.memory_space<vmem>>, vector<2000x128xf32>
    %get3A_2 = arith.constant 0 : index
    %get3A_3 = arith.constant 0 : index
    %get3A_4 = arith.constant 0 : index
    %get3A_5 = vector.load %arg3[%get3A_2, %get3A_3, %get3A_4] : memref<1x128x128xf32, #tpu.memory_space<vmem>>, vector<1x128x128xf32>
    %get3A_6 = vector.shape_cast %get3A_5 : vector<1x128x128xf32> to vector<128x128xf32>
    %dot_general3A = arith.constant dense<0.000000e+00> : vector<2000x128xf32>
    %dot_general3A_7 = tpu.matmul %get3A_1, %get3A_6, %dot_general3A {dimension_numbers = #tpu.dot_dimension_numbers<[1], [0], [0], [1], [0, 0, 1, 1], [], []>, transpose_lhs_hint = false} : vector<2000x128xf32>, vector<128x128xf32>, vector<2000x128xf32> -> vector<2000x128xf32>
    %broadcast_in_dim3A = vector.shape_cast %dot_general3A_7 : vector<2000x128xf32> to vector<1x2000x128xf32>
    %swap3A = arith.constant 0 : index
    %swap3A_8 = arith.constant 0 : index
    %swap3A_9 = arith.constant 0 : index
    %swap3A_10 = vector.load %arg4[%swap3A, %swap3A_8, %swap3A_9] : memref<1x2000x128xf32, #tpu.memory_space<vmem>>, vector<1x2000x128xf32>
    tpu.vector_store %arg4[%swap3A, %swap3A_8, %swap3A_9], %broadcast_in_dim3A {strides = array<i32>} : memref<1x2000x128xf32, #tpu.memory_space<vmem>>, vector<1x2000x128xf32>,
    return
  }
  func.func @transform_0(%arg0: i32, %arg1: i32) -> (i32, i32) {
    %c0_i32 = arith.constant 0 : i32
    %c0_i32_0 = arith.constant 0 : i32
    return %arg0, %c0_i32 : i32, i32
  }
  func.func @transform_1(%arg0: i32, %arg1: i32) -> (i32, i32, i32) {
    %c0_i32 = arith.constant 0 : i32
    %c0_i32_0 = arith.constant 0 : i32
    %c0_i32_1 = arith.constant 0 : i32
    return %arg1, %c0_i32, %c0_i32_0 : i32, i32, i32
  }
  func.func @transform_2(%arg0: i32, %arg1: i32) -> (i32, i32, i32) {
    %c0_i32 = arith.constant 0 : i32
    %c0_i32_0 = arith.constant 0 : i32
    return %arg1, %arg0, %c0_i32 : i32, i32, i32
  }
}

module attributes {stable_mosaic.version = 14 : i64} {
  func.func @_finish_body(%arg0: i32, %arg1: memref<2x2000x128xf32, #tpu.memory_space<vmem>>, %arg2: memref<2x2000x128xf32, #tpu.memory_space<vmem>>, %arg3: memref<2000x128xf32, #tpu.memory_space<vmem>>) attributes {dimension_semantics = [#tpu.dimension_semantics<arbitrary>], iteration_bounds = array<i64: 5>, scalar_prefetch = 0 : i64, scratch_operands = 0 : i64, tpu.core_type = #tpu.core_type<tc>, window_params = [{transform_indices = @transform_0, window_bounds = array<i64: 2, 2000, 128>}, {transform_indices = @transform_1, window_bounds = array<i64: 2, 2000, 128>}, {transform_indices = @transform_2, window_bounds = array<i64: 2000, 128>}]} {
    %get3A = arith.constant 0 : index
    %get3A_0 = arith.constant 0 : index
    %get3A_1 = arith.constant 0 : index
    %get3A_2 = vector.load %arg1[%get3A, %get3A_0, %get3A_1] : memref<2x2000x128xf32, #tpu.memory_space<vmem>>, vector<1x2000x128xf32>
    %get3A_3 = vector.shape_cast %get3A_2 : vector<1x2000x128xf32> to vector<2000x128xf32>
    %get3A_4 = arith.constant 1 : index
    %get3A_5 = arith.constant 0 : index
    %get3A_6 = arith.constant 0 : index
    %get3A_7 = vector.load %arg1[%get3A_4, %get3A_5, %get3A_6] : memref<2x2000x128xf32, #tpu.memory_space<vmem>>, vector<1x2000x128xf32>
    %get3A_8 = vector.shape_cast %get3A_7 : vector<1x2000x128xf32> to vector<2000x128xf32>
    %add3A = arith.addf %get3A_3, %get3A_8 : vector<2000x128xf32>
    %get3A_9 = arith.constant 0 : index
    %get3A_10 = arith.constant 0 : index
    %get3A_11 = arith.constant 0 : index
    %get3A_12 = vector.load %arg2[%get3A_9, %get3A_10, %get3A_11] : memref<2x2000x128xf32, #tpu.memory_space<vmem>>, vector<1x2000x1xf32>
    %get3A_13 = vector.shape_cast %get3A_12 : vector<1x2000x1xf32> to vector<2000x1xf32>
    %get3A_14 = arith.constant 1 : index
    %get3A_15 = arith.constant 0 : index
    %get3A_16 = arith.constant 0 : index
    %get3A_17 = vector.load %arg2[%get3A_14, %get3A_15, %get3A_16] : memref<2x2000x128xf32, #tpu.memory_space<vmem>>, vector<1x2000x1xf32>
    %get3A_18 = vector.shape_cast %get3A_17 : vector<1x2000x1xf32> to vector<2000x1xf32>
    %add3A_19 = arith.addf %get3A_13, %get3A_18 : vector<2000x1xf32>
    %max3A = arith.constant 1.000000e+00 : f32
    %max3A_20 = vector.broadcast %max3A : f32 to vector<2000x1xf32>
    %max3A_21 = arith.maximumf %add3A_19, %max3A_20 : vector<2000x1xf32>
    %div3A = vector.broadcast %max3A_21 : vector<2000x1xf32> to vector<2000x128xf32>
    %div3A_22 = arith.divf %add3A, %div3A : vector<2000x128xf32>
    %max3A_23 = arith.constant 0.000000e+00 : f32
    %max3A_24 = vector.broadcast %max3A_23 : f32 to vector<2000x128xf32>
    %max3A_25 = arith.maximumf %div3A_22, %max3A_24 : vector<2000x128xf32>
    %swap3A = arith.constant 0 : index
    %swap3A_26 = arith.constant 0 : index
    %swap3A_27 = vector.load %arg3[%swap3A, %swap3A_26] : memref<2000x128xf32, #tpu.memory_space<vmem>>, vector<2000x128xf32>
    tpu.vector_store %arg3[%swap3A, %swap3A_26], %max3A_25 {strides = array<i32>} : memref<2000x128xf32, #tpu.memory_space<vmem>>, vector<2000x128xf32>,
    return
  }
  func.func @transform_0(%arg0: i32) -> (i32, i32, i32) {
    %c0_i32 = arith.constant 0 : i32
    %c0_i32_0 = arith.constant 0 : i32
    %c0_i32_1 = arith.constant 0 : i32
    return %c0_i32, %arg0, %c0_i32_0 : i32, i32, i32
  }
  func.func @transform_1(%arg0: i32) -> (i32, i32, i32) {
    %c0_i32 = arith.constant 0 : i32
    %c0_i32_0 = arith.constant 0 : i32
    %c0_i32_1 = arith.constant 0 : i32
    return %c0_i32, %arg0, %c0_i32_0 : i32, i32, i32
  }
  func.func @transform_2(%arg0: i32) -> (i32, i32) {
    %c0_i32 = arith.constant 0 : i32
    %c0_i32_0 = arith.constant 0 : i32
    return %arg0, %c0_i32 : i32, i32
  }
}

module attributes {stable_mosaic.version = 14 : i64} {
  func.func @_finish_body(%arg0: i32, %arg1: memref<2x2000x128xf32, #tpu.memory_space<vmem>>, %arg2: memref<2x2000x128xf32, #tpu.memory_space<vmem>>, %arg3: memref<2000x128xf32, #tpu.memory_space<vmem>>) attributes {dimension_semantics = [#tpu.dimension_semantics<arbitrary>], iteration_bounds = array<i64: 5>, scalar_prefetch = 0 : i64, scratch_operands = 0 : i64, tpu.core_type = #tpu.core_type<tc>, window_params = [{transform_indices = @transform_0, window_bounds = array<i64: 2, 2000, 128>}, {transform_indices = @transform_1, window_bounds = array<i64: 2, 2000, 128>}, {transform_indices = @transform_2, window_bounds = array<i64: 2000, 128>}]} {
    %get3A = arith.constant 0 : index
    %get3A_0 = arith.constant 0 : index
    %get3A_1 = arith.constant 0 : index
    %get3A_2 = vector.load %arg1[%get3A, %get3A_0, %get3A_1] : memref<2x2000x128xf32, #tpu.memory_space<vmem>>, vector<1x2000x128xf32>
    %get3A_3 = vector.shape_cast %get3A_2 : vector<1x2000x128xf32> to vector<2000x128xf32>
    %get3A_4 = arith.constant 1 : index
    %get3A_5 = arith.constant 0 : index
    %get3A_6 = arith.constant 0 : index
    %get3A_7 = vector.load %arg1[%get3A_4, %get3A_5, %get3A_6] : memref<2x2000x128xf32, #tpu.memory_space<vmem>>, vector<1x2000x128xf32>
    %get3A_8 = vector.shape_cast %get3A_7 : vector<1x2000x128xf32> to vector<2000x128xf32>
    %add3A = arith.addf %get3A_3, %get3A_8 : vector<2000x128xf32>
    %get3A_9 = arith.constant 0 : index
    %get3A_10 = arith.constant 0 : index
    %get3A_11 = arith.constant 0 : index
    %get3A_12 = vector.load %arg2[%get3A_9, %get3A_10, %get3A_11] : memref<2x2000x128xf32, #tpu.memory_space<vmem>>, vector<1x2000x1xf32>
    %get3A_13 = vector.shape_cast %get3A_12 : vector<1x2000x1xf32> to vector<2000x1xf32>
    %get3A_14 = arith.constant 1 : index
    %get3A_15 = arith.constant 0 : index
    %get3A_16 = arith.constant 0 : index
    %get3A_17 = vector.load %arg2[%get3A_14, %get3A_15, %get3A_16] : memref<2x2000x128xf32, #tpu.memory_space<vmem>>, vector<1x2000x1xf32>
    %get3A_18 = vector.shape_cast %get3A_17 : vector<1x2000x1xf32> to vector<2000x1xf32>
    %add3A_19 = arith.addf %get3A_13, %get3A_18 : vector<2000x1xf32>
    %max3A = arith.constant 1.000000e+00 : f32
    %max3A_20 = vector.broadcast %max3A : f32 to vector<2000x1xf32>
    %max3A_21 = arith.maximumf %add3A_19, %max3A_20 : vector<2000x1xf32>
    %div3A = vector.broadcast %max3A_21 : vector<2000x1xf32> to vector<2000x128xf32>
    %div3A_22 = arith.divf %add3A, %div3A : vector<2000x128xf32>
    %max3A_23 = arith.constant 0.000000e+00 : f32
    %max3A_24 = vector.broadcast %max3A_23 : f32 to vector<2000x128xf32>
    %max3A_25 = arith.maximumf %div3A_22, %max3A_24 : vector<2000x128xf32>
    %swap3A = arith.constant 0 : index
    %swap3A_26 = arith.constant 0 : index
    %swap3A_27 = vector.load %arg3[%swap3A, %swap3A_26] : memref<2000x128xf32, #tpu.memory_space<vmem>>, vector<2000x128xf32>
    tpu.vector_store %arg3[%swap3A, %swap3A_26], %max3A_25 {strides = array<i32>} : memref<2000x128xf32, #tpu.memory_space<vmem>>, vector<2000x128xf32>,
    return
  }
  func.func @transform_0(%arg0: i32) -> (i32, i32, i32) {
    %c0_i32 = arith.constant 0 : i32
    %c0_i32_0 = arith.constant 0 : i32
    %c0_i32_1 = arith.constant 0 : i32
    return %c0_i32, %arg0, %c0_i32_0 : i32, i32, i32
  }
  func.func @transform_1(%arg0: i32) -> (i32, i32, i32) {
    %c0_i32 = arith.constant 0 : i32
    %c0_i32_0 = arith.constant 0 : i32
    %c0_i32_1 = arith.constant 0 : i32
    return %c0_i32, %arg0, %c0_i32_0 : i32, i32, i32
  }
  func.func @transform_2(%arg0: i32) -> (i32, i32) {
    %c0_i32 = arith.constant 0 : i32
    %c0_i32_0 = arith.constant 0 : i32
    return %arg0, %c0_i32 : i32, i32
  }
}

</mosaic_0001>

<sc_bundles>
// kernel: kernel.11.cloned.1.call-start
scs
__scs_entry_jumppad:
0x0: {  	(pc) =	sbr.rel $0x88, $3  }
0x1: {  	(tag) =	ssettag $0x0;
	lr =	simm.s32 $0x1  }
0x2: {  	[smem:$0x3F9C] =	sst lr;
	_ =	strace $0xD0000000  }
0x3: {  	_ = 	snop  }
0x4: {  	_ = 	snop  }
0x5: {  	_ = 	snop  }
0x6: {  	_ = 	snop  }
0x7: {  	_ = 	snop  }
__scs_overlays_trampoline_lowered:
0x8: {  	[smem:$0x3FAB] =	sst s0  }
0x9: {  	[smem:$0x3FAC] =	sst s1  }
0xa: {  	[smem:$0x3FAD] =	sst s2  }
0xb: {  	[smem:$0x3FAE] =	sst s3  }
0xc: {  	[smem:$0x3FAF] =	sst s4  }
0xd: {  	[smem:$0x3FB0] =	sst s5  }
0xe: {  	[smem:$0x3FB1] =	sst s6  }
0xf: {  	[smem:$0x3FB2] =	sst s7  }
0x10: {  	[smem:$0x3FB3] =	sst s8  }
0x11: {  	[smem:$0x3FB4] =	sst s9;
	s0 =	simm.s32 @!p0 $0x0  }
0x12: {  	s1 =	sld [smem:$0x3F9A];
	s0 =	simm.s32 @p0 $0x1  }
0x13: {  	[smem:$0x3FB5] =	sst s0;
	s0 =	simm.s32 @!p1 $0x0  }
0x14: {  	s2 =	sld [smem:$0x3F99];
	s0 =	simm.s32 @p1 $0x1  }
0x15: {  	[smem:$0x3FB6] =	sst s0;
	s0 =	simm.s32 @!p2 $0x0  }
0x16: {  	s3 =	sld [smem:$0x3FDB];
	s0 =	simm.s32 @p2 $0x1  }
0x17: {  	s4 =	simm.s32 $0x1BF5;
	[smem:$0x3FB8] =	sst s0  }
0x18: {  	s0 =	sld [smem:$0x3F9B];
	_ =	swait.ge [sflag:s4], $0x0  }
0x19: {  	s7 =	sld [smem:$0x3F9C]  }
0x1a: {  	s8 =	sadd.s32 $0xFFFFE003, lr  }
0x1b: {  	s9 =	sadd.s32 $0xFFFFFEF7, lr;
	s5 =	simm.s32 $0xFFFFFFFF;
	p2 =	slt.u32 s8, $0xFFFFF086  }
0x1c: {  	p1 =	slt.u32 s9, $0xF7A;
	s5 =	simm.s32 @!p2 $0x0  }
0x1d: {  	s5 =	simm.s32 @p1 $0x1;
	p0 =	seq.s32 s7, s2  }
0x1e: {  	s7 =	smul.u32 @!p0 $0xF7A, s2;
	p2 =	seq.s32 @!p0 s5, $0x0  }
0x1f: {  	s9 =	smul.u32 $0xF7A, s1;
	s8 =	simm.s32 @!p0 $0x1BF5;
	p2 =	por !p2, p0  }
0x20: {  	[sflag:s8] =	ssyncset.s32 @!p0 $0xFFFFF086;
	s6 =	sadd.s32 @!p0 s3, s7;
	s7 =	simm.s32 @!p0 $0x108  }
0x21: {  	s3 =	sadd.s32 s3, s9;
	s6 =	sadd.s32 @!p0 $0x88, s6;
	s7 =	simm.s32 @p2 $0x1082  }
0x22: {  	[simem:s7], [sflag:s8] =	dma.local @!p0 [hbm:s6], $0xF7A  }
0x23: {  	s9 =	sor.u32 $0xD0000000, s2;
	s6 =	simm.s32 $0x108;
	_ =	swait.ge @!p0 [sflag:s8], $0x0  }
0x24: {  	s3 =	sadd.s32 $0x88, s3;
	s6 =	simm.s32 @!p1 $0x1082;
	[sflag:s4] =	ssyncset.s32 $0xFFFFF086  }
0x25: {  	[simem:s6], [sflag:s4] =	dma.local [hbm:s3], $0xF7A  }
0x26: {  	[smem:$0x3F9C] =	sst s1;
	(tag) =	ssettag s2;
	_ =	strace s9  }
0x27: {  	s1 =	sld [smem:$0x3FAC]  }
0x28: {  	s2 =	sld [smem:$0x3FAD]  }
0x29: {  	s4 =	sld [smem:$0x3FAF]  }
0x2a: {  	p0 =	seq.s32 s5, $0x0;
	s5 =	sld [smem:$0x3FB0]  }
0x2b: {  	s6 =	sld [smem:$0x3FB1]  }
0x2c: {  	s7 =	sld [smem:$0x3FB2]  }
0x2d: {  	s3 =	simm.s32 $0x108;
	s8 =	sld [smem:$0x3FB3]  }
0x2e: {  	s3 =	simm.s32 @!p0 $0x1082;
	s9 =	sld [smem:$0x3FB4]  }
0x2f: {  	lr =	sadd.s32 s0, s3;
	s0 =	sld [smem:$0x3FAB]  }
0x30: {  	s3 =	sld [smem:$0x3FAE]  }
0x31: {  	[smem:$0x3FB7] =	sst s10  }
0x32: {  	s10 =	sld [smem:$0x3FB5];
	_ =	sdelay $0x3  }
0x33: {  	p0 =	seq.s32 s10, $0x1;
	s10 =	sld [smem:$0x3FB7];
	_ =	sdelay $0x3  }
0x34: {  	[smem:$0x3FB7] =	sst s10  }
0x35: {  	s10 =	sld [smem:$0x3FB6];
	_ =	sdelay $0x3  }
0x36: {  	p1 =	seq.s32 s10, $0x1;
	s10 =	sld [smem:$0x3FB7];
	_ =	sdelay $0x3  }
0x37: {  	[smem:$0x3FB7] =	sst s10  }
0x38: {  	s10 =	sld [smem:$0x3FB8]  }
0x39: {  	_ = 	snop;
	(pc) =	sbr.ind lr, $3  }
0x3a: {  	_ = 	snop  }
0x3b: {  	_ = 	snop  }
0x3c: {  	p2 =	seq.s32 s10, $0x1;
	s10 =	sld [smem:$0x3FB7]  }
0x3d: {  	_ =	shalt  }
0x3e: {  	_ =	shalt  }
0x3f: {  	_ =	shalt  }
0x40: {  	_ =	shalt  }
0x41: {  	_ =	shalt  }
0x42: {  	_ =	shalt  }
0x43: {  	_ =	shalt  }
0x44: {  	_ =	shalt  }
0x45: {  	_ =	shalt  }
0x46: {  	_ =	shalt  }
0x47: {  	_ =	shalt  }
0x48: {  	_ =	shalt  }
0x49: {  	_ =	shalt  }
0x4a: {  	_ =	shalt  }
0x4b: {  	_ =	shalt  }
0x4c: {  	_ =	shalt  }
0x4d: {  	_ =	shalt  }
0x4e: {  	_ =	shalt  }
0x4f: {  	_ =	shalt  }
0x50: {  	_ =	shalt  }
0x51: {  	_ =	shalt  }
0x52: {  	_ =	shalt  }
0x53: {  	_ =	shalt  }
0x54: {  	_ =	shalt  }
0x55: {  	_ =	shalt  }
0x56: {  	_ =	shalt  }
0x57: {  	_ =	shalt  }
0x58: {  	_ =	shalt  }
0x59: {  	_ =	shalt  }
0x5a: {  	_ =	shalt  }
0x5b: {  	_ =	shalt  }
0x5c: {  	_ =	shalt  }
0x5d: {  	_ =	shalt  }
0x5e: {  	_ =	shalt  }
0x5f: {  	_ =	shalt  }
0x60: {  	_ =	shalt  }
0x61: {  	_ =	shalt  }
0x62: {  	_ =	shalt  }
0x63: {  	_ =	shalt  }
0x64: {  	_ =	shalt  }
0x65: {  	_ =	shalt  }
0x66: {  	_ =	shalt  }
0x67: {  	_ =	shalt  }
0x68: {  	_ =	shalt  }
0x69: {  	_ =	shalt  }
0x6a: {  	_ =	shalt  }
0x6b: {  	_ =	shalt  }
0x6c: {  	_ =	shalt  }
0x6d: {  	_ =	shalt  }
0x6e: {  	_ =	shalt  }
0x6f: {  	_ =	shalt  }
0x70: {  	_ =	shalt  }
0x71: {  	_ =	shalt  }
0x72: {  	_ =	shalt  }
0x73: {  	_ =	shalt  }
0x74: {  	_ =	shalt  }
0x75: {  	_ =	shalt  }
0x76: {  	_ =	shalt  }
0x77: {  	_ =	shalt  }
0x78: {  	_ =	shalt  }
0x79: {  	_ =	shalt  }
0x7a: {  	_ =	shalt  }
0x7b: {  	_ =	shalt  }
0x7c: {  	_ =	shalt  }
0x7d: {  	_ =	shalt  }
0x7e: {  	_ =	shalt  }
0x7f: {  	_ =	shalt  }
0x80: {  	_ =	shalt  }
0x81: {  	_ =	shalt  }
0x82: {  	_ =	shalt  }
0x83: {  	_ =	shalt  }
0x84: {  	_ =	shalt  }
0x85: {  	_ =	shalt  }
0x86: {  	_ =	shalt  }
0x87: {  	_ =	shalt  }
.Lfunc_end0:
.L_simem_size_0:
called_computation.1_lowered:
.L_overlay_start_0:
0x88: {  	s2 =	sld [smem:$0x3FD9]  }
0x89: {  	s3 =	sld [smem:$0x3FFE];
	_ =	sdelay $0x1  }
0x8a: {  	s1 =	srdreg.scid  }
0x8b: {  	s0 =	sand.u32 $0x1, s1  }
0x8c: {  	s17 =	sshll.u32 s0, $0xA;
	s2 =	sadd.s32 s3, s2  }
0x8d: {  	s2 =	sadd.s32 s2, s17  }
0x8e: {  	[smem:$0x3FC3] =	sst s2  }
0x8f: {  	_ = 	snop  }
0x90: {  	s2 =	sld [smem:$0x3FD0];
	(tm) =	ssettm $0x1  }
0x91: {  	s18 =	sld [smem:$0x3FFB];
	_ =	sdelay $0x3  }
0x92: {  	_ =	strace s18  }
0x93: {  	s3 =	sld [smem:$0x3FFC];
	_ =	sdelay $0x3  }
0x94: {  	_ =	strace s3  }
0x95: {  	s3 =	sld [smem:$0x3FFD];
	_ =	sdelay $0x3  }
0x96: {  	_ =	strace s3  }
0x97: {  	_ =	strace $0x8FFFFFFF  }
0x98: {  	s19 =	sld [smem:$0x3FDB];
	_ =	sdelay $0x1  }
0x99: {  	s4 =	simm.s32 $_scs_section_size  }
0x9a: {  	s5 =	simm.s32 $_size__tile_overlayer_lowered;
	s6 =	simm.s32 $_tile_overlayer_lowered  }
0x9b: {  	s22 =	simm.s32 $0x1BFF;
	s21 =	sshll.u32 s6, $0x1;
	s3 =	sadd.s32 s4, s19  }
0x9c: {  	s7 =	simm.s32 $0x0;
	s20 =	sshll.u32 s5, $0x1;
	s5 =	sadd.s32 s21, s3  }
0x9d: {  	[timem:s7], [sflag:s22] =	dma.local [hbm:s5], s20  }
0x9e: {  	_ =	swait.ge [sflag:s22], s20  }
0x9f: {  	s4 =	ssub.s32 $0x0, s20;
	[sflag:s22] =	ssyncset.done $0x0  }
0xa0: {  	[sflag:s22] =	ssyncadd.s32 s4;
	_ =	sdelay $0x1  }
0xa1: {  	s23 =	simm.s32 $0x1B8B  }
0xa2: {  	_ =	swait.ge [sflag:s23], $0x1  }
0xa3: {  	[sflag:s23] =	ssyncset.done $0x0  }
0xa4: {  	s25 =	simm.s32 $0x1B8E;
	s24 =	sld [smem:$0x3FFE];
	[sflag:s23] =	ssyncadd.s32 $0xFFFFFFFF  }
0xa5: {  	s26 =	simm.s32 $execute0_lowered;
	[smem:$0x3FD2] =	sst s25  }
0xa6: {  	s5 =	sshll.u32 s26, $0x1;
	_ =	strace $0x80000049;
	[dreg:$0x1] =	wrdreg $0xFFFFFFFF  }
0xa7: {  	s28 =	simm.s32 $_size_execute0_lowered;
	s3 =	sadd.s32 s3, s5;
	[dreg:$0x0] =	wrdreg $0x0  }
0xa8: {  	s5 =	sshll.u32 s28, $0x1;
	[dreg:$0x2] =	wrdreg s3  }
0xa9: {  	[dreg:$0x3] =	wrdreg s5  }
0xaa: {  	[dreg:$0x4] =	wrdreg $0xC0  }
0xab: {  	_ =	task [dreg:s7], $0x5FFFF  }
0xac: {  	[dreg:$0x1] =	wrdreg $0xFFFFFFFF  }
0xad: {  	[dreg:$0x0] =	wrdreg $0x60  }
0xae: {  	[dreg:$0x2] =	wrdreg s24  }
0xaf: {  	[dreg:$0x3] =	wrdreg s2  }
0xb0: {  	[dreg:$0x4] =	wrdreg $0x82000  }
0xb1: {  	[dreg:$0x5] =	wrdreg $0x9  }
0xb2: {  	_ =	task.clear_ibuf [dreg:s7], $0x6FFFF;
	_ =	strace $0x90000049  }
0xb3: {  	s29 =	simm.s32 $0x9;
	_ =	strace $0x8000004B  }
0xb4: {  	_ =	swait.ge [sflag:s29], $0x1  }
0xb5: {  	[sflag:s29] =	ssyncadd.s32 $0xFFFFFFFF  }
0xb6: {  	_ =	strace $0x9000004B  }
0xb7: {  	_ =	sfence  }
0xb8: {  	s30 =	sld [smem:$0x0];
	_ =	sdelay $0x2  }
0xb9: {  	s31 =	sshll.u32 s1, $0xD;
	s1 =	sshrl.u32 s1, $0x2  }
0xba: {  	s3 =	sand.u32 $0x4000, s31;
	s1 =	sadd.s32 s1, s30  }
0xbb: {  	s0 =	sor.u32 s3, s0;
	s1 =	sshll.u32 s1, $0x11  }
0xbc: {  	s0 =	sor.u32 s1, s0  }
0xbd: {  	s0 =	sadd.s32 $0x8F2B, s0  }
0xbe: {  	[sflag:s0] =	ssyncadd.remote.s32 $0x1  }
0xbf: {  	_ =	sfence.sel $0xFFFF  }
0xc0: {  	[dreg:$0x0] =	wrdreg $0xFFFFFFFF;
	(pc) =	sbr.abs _section_cstart, $3  }
0xc1: {  	[dreg:$0x1] =	wrdreg $0xFFFFFFFF  }
0xc2: {  	_ =	task.clear_ibuf [dreg:s7], $0x2FFFF;
	_ =	strace $0x9FFFFFFF  }
0xc3: {  	(tm) =	ssettm $0x7FFFFFFF  }
tec
execute0_lowered:
.L_overlay_start_1:
0x0: {  	(tag) =	ssettag $0x1  }
0x1: {  	s6 =	rddreg [dreg:$0x0]  }
0x2: {  	s7 =	rddreg [dreg:$0x1]  }
0x3: {  	s1 =	rddreg [dreg:$0x2];
	s2 =	srdreg.scid  }
0x4: {  	s0 =	rddreg [dreg:$0x3];
	s3 =	simm.s32 $0x0;
	s15 =	simm.s32 $0x200  }
0x5: {  	s16 =	simm.s32 $0x100;
	s17 =	simm.s32 $0x1;
	s18 =	simm.s32 $0x4  }
0x6: {  	s19 =	simm.s32 $0x4200;
	s20 =	simm.s32 $0x2;
	s8 =	sand.u32 $0x1, s2  }
0x7: {  	s21 =	simm.s32 $0x180;
	s2 =	stileid.u32;
	s9 =	smul.u32 $0x13C000, s8  }
0x8: {  	s22 =	simm.s32 $0x3;
	s23 =	simm.s32 $0x0;
	s10 =	smul.u32 $0x13C00, s2  }
0x9: {  	[smem:$0x7FF] =	sst s3;
	s5 =	sadd.s32 $0x3ABA00, s6;
	s11 =	smul.u32 $0x4F000, s2  }
0xa: {  	s28 =	sshll.u32 s8, $0x4;
	s29 =	ssub.s32 $0x2, s8;
	s8 =	smul.u32 $0xA000, s8  }
0xb: {  	s4 =	sadd.s32 $0x1A00, s6;
	_ =	strace $0x8000004A;
	s30 =	smul.u32 $0xA00, s2  }
0xc: {  	s14 =	sshll.u32 s2, $0x6;
	s12 =	sshrl.u32 s29, $0x1;
	s9 =	sadd.s32 s10, s9  }
0xd: {  	s10 =	sor.u32 s2, s28;
	s11 =	sshrl.u32 s11, $0x2;
	s12 =	ssub.s32 s29, s12  }
0xe: {  	s31 =	sadd.s32 s8, s7;
	s9 =	sshrl.u32 s9, $0x3;
	s10 =	smul.u32 $0xA00, s10  }
0xf: {  	s13 =	sadd.s32 s11, s1;
	s11 =	sadd.s32 s30, s31;
	s9 =	sadd.s32 s9, s6  }
0x10: {  	s11 =	sadd.s32 $0x40, s11;
	s6 =	sadd.s32 s7, s10;
	s7 =	sor.u32 $0x1C05, s14  }
0x11: {  	s9 =	sadd.s32 $0x3AE200, s9;
	s10 =	smax.u32 s12, $0x1;
	s12 =	sshrl.u32 s13, $0x3  }
0x12: {  	s13 =	simm.s32 $0x5;
	s14 =	simm.s32 $0x80;
	s8 =	sadd.s32 $0x20, s6  }
.LBB2_1:
0x13: {  	[spmem:s12], [sflag:s7] =	dma.local [hbm:s5], $0x2780  }
0x14: {  	_ =	swait.ge [sflag:s13], $0x2780  }
0x15: {  	[sflag:s13] =	ssyncset.done $0x0  }
0x16: {  	[sflag:s13] =	ssyncadd.s32 $0xFFFFD880  }
0x17: {  	[bflag:$0x0] =	sbarrier.arrive $0xFFFF  }
0x18: {  	[tilespmem:s3], [sflag:$0x5] =	stream.linear.gather [hbm4b:s6+s3], $0x100, $0x38;
	[tilespmem:$0x1BE00] =	vst v63  }
0x19: {  	_ =	swait.ge [sflag:s13], $0x100  }
0x1a: {  	[sflag:s13] =	ssyncset.done $0x0  }
0x1b: {  	[sflag:s13] =	ssyncadd.s32 $0xFFFFFF00  }
0x1c: {  	[tilespmem:s15], [sflag:$0x1] =	stream.indirect.gather [hbm4b:s4+s14], $0x80, s3, s14, $0xb8;
	[tilespmem:$0x1BE00] =	vst v63  }
0x1d: {  	s24 =	smov.u32 s11;
	s25 =	simm.s32 $0x0  }
0x1e: {  	[tilespmem:s16], [sflag:$0x4] =	stream.linear.gather [hbm4b:s8+s3], $0x100, $0x38;
	[tilespmem:$0x1BE00] =	vst v63  }
.LBB2_2:
0x1f: {  	s26 =	sand.u32 $0x1, s25  }
0x20: {  	p0 =	seq.s32 s26, $0x1  }
0x21: {  	s26 =	simm.s32 @!p0 $0x1  }
0x22: {  	_ =	swait.ge @!p0 [sflag:s26], $0x4000  }
0x23: {  	[sflag:s26] =	ssyncset.done @!p0 $0x0  }
0x24: {  	[sflag:s26] =	ssyncadd.s32 @!p0 $0xFFFFC000;
	s26 =	simm.s32 @!p0 $0x4  }
0x25: {  	_ =	swait.ge @!p0 [sflag:s26], $0x100  }
0x26: {  	s28 =	simm.s32 @!p0 $0x100;
	[sflag:s26] =	ssyncset.done @!p0 $0x0  }
0x27: {  	s29 =	simm.s32 @!p0 $0x4200;
	[sflag:s26] =	ssyncadd.s32 @!p0 $0xFFFFFF00;
	s26 =	simm.s32 @!p0 $0x80  }
0x28: {  	[tilespmem:s29], [sflag:$0x2] =	stream.indirect.gather @!p0 [hbm4b:s4+s26], $0x80, s28, s26, $0xb8;
	[tilespmem:$0x1BE00] =	vst v63  }
0x29: {  	s28 =	simm.s32 @!p0 $0x200  }
0x2a: {  	[spmem:s1] =	stream.indirect.scatter.add.f32 @!p0 [tilespmem:s28], [sflag:$0x5], $0x80, s26, s26, $0xb8;
	[tilespmem:$0x1BE00] =	vst v63  }
0x2b: {  	s26 =	simm.s32 @!p0 $0x5  }
0x2c: {  	_ =	swait.ge @!p0 [sflag:s26], $0x4000  }
0x2d: {  	[sflag:s26] =	ssyncset.done @!p0 $0x0  }
0x2e: {  	[sflag:s26] =	ssyncadd.s32 @!p0 $0xFFFFC000;
	s26 =	simm.s32 @!p0 $0x0  }
0x2f: {  	[tilespmem:s26], [sflag:$0x3] =	stream.linear.gather @!p0 [hbm4b:s24+s26], $0x100, $0x38;
	[tilespmem:$0x1BE00] =	vst v63  }
0x30: {  	s26 =	sand.u32 @!p0 $0x1, s25  }
0x31: {  	p1 =	seq.s32 @!p0 s26, $0x0  }
0x32: {  	p0 =	por p0, !p1  }
0x33: {  	_ =	swait.ge @p0 [sflag:s20], $0x4000  }
0x34: {  	[sflag:s20] =	ssyncset.done @p0 $0x0  }
0x35: {  	[sflag:s20] =	ssyncadd.s32 @p0 $0xFFFFC000  }
0x36: {  	_ =	swait.ge @p0 [sflag:s22], $0x100  }
0x37: {  	[sflag:s22] =	ssyncset.done @p0 $0x0  }
0x38: {  	[sflag:s22] =	ssyncadd.s32 @p0 $0xFFFFFF00  }
0x39: {  	[tilespmem:s15], [sflag:$0x1] =	stream.indirect.gather @p0 [hbm4b:s4+s14], $0x80, s3, s14, $0xb8;
	[tilespmem:$0x1BE00] =	vst v63  }
0x3a: {  	_ = 	snop  }
0x3b: {  	[spmem:s1] =	stream.indirect.scatter.add.f32 @p0 [tilespmem:s19], [sflag:$0x5], $0x80, s21, s14, $0xb8;
	[tilespmem:$0x1BE00] =	vst v63  }
0x3c: {  	_ =	swait.ge @p0 [sflag:s13], $0x4000  }
0x3d: {  	[sflag:s13] =	ssyncset.done @p0 $0x0  }
0x3e: {  	s25 =	sadd.s32 $0x1, s25;
	[sflag:s13] =	ssyncadd.s32 @p0 $0xFFFFC000  }
0x3f: {  	[tilespmem:s16], [sflag:$0x4] =	stream.linear.gather @p0 [hbm4b:s24+s3], $0x100, $0x38;
	[tilespmem:$0x1BE00] =	vst v63  }
0x40: {  	p0 =	sne.s32 s25, $0x4E  }
.Ltmp0:
0x41: {  	_ = 	snop;
	(pc) =	sbr.rel @p0 .LBB2_2-.Ltmp0, $2  }
0x42: {  	_ =	sdelay $0x2  }
0x43: {  	s24 =	sadd.s32 $0x20, s24  }
0x44: {  	_ =	swait.ge [sflag:s17], $0x4000  }
0x45: {  	[sflag:s17] =	ssyncset.done $0x0  }
0x46: {  	[sflag:s17] =	ssyncadd.s32 $0xFFFFC000  }
0x47: {  	_ =	swait.ge [sflag:s18], $0x100  }
0x48: {  	[sflag:s18] =	ssyncset.done $0x0  }
0x49: {  	[sflag:s18] =	ssyncadd.s32 $0xFFFFFF00  }
0x4a: {  	[tilespmem:s19], [sflag:$0x2] =	stream.indirect.gather [hbm4b:s4+s14], $0x80, s16, s14, $0xb8;
	[tilespmem:$0x1BE00] =	vst v63  }
0x4b: {  	_ = 	snop  }
0x4c: {  	[spmem:s1] =	stream.indirect.scatter.add.f32 [tilespmem:s15], [sflag:$0x5], $0x80, s14, s14, $0xb8;
	[tilespmem:$0x1BE00] =	vst v63  }
0x4d: {  	_ =	swait.ge [sflag:s13], $0x4000  }
0x4e: {  	[sflag:s13] =	ssyncset.done $0x0  }
0x4f: {  	[sflag:s13] =	ssyncadd.s32 $0xFFFFC000  }
0x50: {  	_ =	swait.ge [sflag:s20], $0x4000  }
0x51: {  	[sflag:s20] =	ssyncset.done $0x0  }
0x52: {  	[sflag:s20] =	ssyncadd.s32 $0xFFFFC000  }
0x53: {  	[spmem:s1] =	stream.indirect.scatter.add.f32 [tilespmem:s19], [sflag:$0x5], $0x80, s21, s14, $0xb8;
	[tilespmem:$0x1BE00] =	vst v63  }
0x54: {  	_ =	swait.ge [sflag:s13], $0x4000  }
0x55: {  	s23 =	sadd.s32 $0x1, s23;
	[sflag:s13] =	ssyncset.done $0x0  }
0x56: {  	p0 =	sne.s32 s23, s10;
	[sflag:s13] =	ssyncadd.s32 $0xFFFFC000  }
.Ltmp1:
0x57: {  	[bflag:$0x0] =	sbarrier.arrive $0xFFFF;
	(pc) =	sbr.rel @p0 .LBB2_1-.Ltmp1, $4  }
0x58: {  	[hbm:s9], [sflag:s7] =	dma.local [spmem:s12], $0x2780  }
0x59: {  	_ =	swait.ge [sflag:s13], $0x2780  }
0x5a: {  	[sflag:s13] =	ssyncset.done $0x0  }
0x5b: {  	[sflag:s13] =	ssyncadd.s32 $0xFFFFD880  }
0x5c: {  	_ =	sfence.sel $0x180000  }
0x5d: {  	[bflag:$0x0] =	sbarrier.arrive $0xFFFF  }
0x5e: {  	p0 =	sne.s32 s2, $0x0;
	_ =	strace $0x9000004A  }
0x5f: {  	s0 =	sadd.s32 @!p0 $0x100000, s0;
	[bflag:$0x2] =	sbarrier.arrive $0xFFFF  }
0x60: {  	[sflag:s0] =	ssyncadd.tile.s32 @!p0 $0x1;
	_ =	shalt  }
.Lfunc_end2:
_tile_overlayer_lowered:
.L_overlay_start_2:
0x61: {  	(tag) =	ssettag $0x2  }
0x62: {  	s0 =	rddreg [dreg:$0x0];
	s2 =	stileid.u32  }
0x63: {  	s1 =	rddreg [dreg:$0x1];
	p0 =	sne.s32 s2, $0x0  }
0x64: {  	s3 =	rddreg [dreg:$0x2];
	[bflag:$0x3] =	sbarrier.arrive $0xFFFF;
	s2 =	simm.s32 @!p0 $0x1C05  }
0x65: {  	[timem:s3], [sflag:s2] =	dma.local @!p0 [hbm:s0], s1  }
0x66: {  	s0 =	simm.s32 @!p0 $0x5  }
0x67: {  	_ =	swait.ge @!p0 [sflag:s0], s1  }
0x68: {  	s1 =	ssub.s32 @!p0 $0x0, s1;
	[sflag:s0] =	ssyncset.done @!p0 $0x0  }
0x69: {  	[sflag:s0] =	ssyncadd.s32 @!p0 s1  }
0x6a: {  	[bflag:$0x3] =	sbarrier.arrive $0xFFFF  }
0x6b: {  	_ =	shalt  }

// kernel: kernel.8.cloned.1.call-start
scs
__scs_entry_jumppad:
0x0: {  	(pc) =	sbr.rel $0x88, $3  }
0x1: {  	(tag) =	ssettag $0x0;
	lr =	simm.s32 $0x1  }
0x2: {  	[smem:$0x3F9C] =	sst lr;
	_ =	strace $0xD0000000  }
0x3: {  	_ = 	snop  }
0x4: {  	_ = 	snop  }
0x5: {  	_ = 	snop  }
0x6: {  	_ = 	snop  }
0x7: {  	_ = 	snop  }
__scs_overlays_trampoline_lowered:
0x8: {  	[smem:$0x3FAB] =	sst s0  }
0x9: {  	[smem:$0x3FAC] =	sst s1  }
0xa: {  	[smem:$0x3FAD] =	sst s2  }
0xb: {  	[smem:$0x3FAE] =	sst s3  }
0xc: {  	[smem:$0x3FAF] =	sst s4  }
0xd: {  	[smem:$0x3FB0] =	sst s5  }
0xe: {  	[smem:$0x3FB1] =	sst s6  }
0xf: {  	[smem:$0x3FB2] =	sst s7  }
0x10: {  	[smem:$0x3FB3] =	sst s8  }
0x11: {  	[smem:$0x3FB4] =	sst s9;
	s0 =	simm.s32 @!p0 $0x0  }
0x12: {  	s1 =	sld [smem:$0x3F9A];
	s0 =	simm.s32 @p0 $0x1  }
0x13: {  	[smem:$0x3FB5] =	sst s0;
	s0 =	simm.s32 @!p1 $0x0  }
0x14: {  	s2 =	sld [smem:$0x3F99];
	s0 =	simm.s32 @p1 $0x1  }
0x15: {  	[smem:$0x3FB6] =	sst s0;
	s0 =	simm.s32 @!p2 $0x0  }
0x16: {  	s3 =	sld [smem:$0x3FDB];
	s0 =	simm.s32 @p2 $0x1  }
0x17: {  	s4 =	simm.s32 $0x1BF5;
	[smem:$0x3FB8] =	sst s0  }
0x18: {  	s0 =	sld [smem:$0x3F9B];
	_ =	swait.ge [sflag:s4], $0x0  }
0x19: {  	s7 =	sld [smem:$0x3F9C]  }
0x1a: {  	s8 =	sadd.s32 $0xFFFFE003, lr  }
0x1b: {  	s9 =	sadd.s32 $0xFFFFFEF7, lr;
	s5 =	simm.s32 $0xFFFFFFFF;
	p2 =	slt.u32 s8, $0xFFFFF086  }
0x1c: {  	p1 =	slt.u32 s9, $0xF7A;
	s5 =	simm.s32 @!p2 $0x0  }
0x1d: {  	s5 =	simm.s32 @p1 $0x1;
	p0 =	seq.s32 s7, s2  }
0x1e: {  	s7 =	smul.u32 @!p0 $0xF7A, s2;
	p2 =	seq.s32 @!p0 s5, $0x0  }
0x1f: {  	s9 =	smul.u32 $0xF7A, s1;
	s8 =	simm.s32 @!p0 $0x1BF5;
	p2 =	por !p2, p0  }
0x20: {  	[sflag:s8] =	ssyncset.s32 @!p0 $0xFFFFF086;
	s6 =	sadd.s32 @!p0 s3, s7;
	s7 =	simm.s32 @!p0 $0x108  }
0x21: {  	s3 =	sadd.s32 s3, s9;
	s6 =	sadd.s32 @!p0 $0x88, s6;
	s7 =	simm.s32 @p2 $0x1082  }
0x22: {  	[simem:s7], [sflag:s8] =	dma.local @!p0 [hbm:s6], $0xF7A  }
0x23: {  	s9 =	sor.u32 $0xD0000000, s2;
	s6 =	simm.s32 $0x108;
	_ =	swait.ge @!p0 [sflag:s8], $0x0  }
0x24: {  	s3 =	sadd.s32 $0x88, s3;
	s6 =	simm.s32 @!p1 $0x1082;
	[sflag:s4] =	ssyncset.s32 $0xFFFFF086  }
0x25: {  	[simem:s6], [sflag:s4] =	dma.local [hbm:s3], $0xF7A  }
0x26: {  	[smem:$0x3F9C] =	sst s1;
	(tag) =	ssettag s2;
	_ =	strace s9  }
0x27: {  	s1 =	sld [smem:$0x3FAC]  }
0x28: {  	s2 =	sld [smem:$0x3FAD]  }
0x29: {  	s4 =	sld [smem:$0x3FAF]  }
0x2a: {  	p0 =	seq.s32 s5, $0x0;
	s5 =	sld [smem:$0x3FB0]  }
0x2b: {  	s6 =	sld [smem:$0x3FB1]  }
0x2c: {  	s7 =	sld [smem:$0x3FB2]  }
0x2d: {  	s3 =	simm.s32 $0x108;
	s8 =	sld [smem:$0x3FB3]  }
0x2e: {  	s3 =	simm.s32 @!p0 $0x1082;
	s9 =	sld [smem:$0x3FB4]  }
0x2f: {  	lr =	sadd.s32 s0, s3;
	s0 =	sld [smem:$0x3FAB]  }
0x30: {  	s3 =	sld [smem:$0x3FAE]  }
0x31: {  	[smem:$0x3FB7] =	sst s10  }
0x32: {  	s10 =	sld [smem:$0x3FB5];
	_ =	sdelay $0x3  }
0x33: {  	p0 =	seq.s32 s10, $0x1;
	s10 =	sld [smem:$0x3FB7];
	_ =	sdelay $0x3  }
0x34: {  	[smem:$0x3FB7] =	sst s10  }
0x35: {  	s10 =	sld [smem:$0x3FB6];
	_ =	sdelay $0x3  }
0x36: {  	p1 =	seq.s32 s10, $0x1;
	s10 =	sld [smem:$0x3FB7];
	_ =	sdelay $0x3  }
0x37: {  	[smem:$0x3FB7] =	sst s10  }
0x38: {  	s10 =	sld [smem:$0x3FB8]  }
0x39: {  	_ = 	snop;
	(pc) =	sbr.ind lr, $3  }
0x3a: {  	_ = 	snop  }
0x3b: {  	_ = 	snop  }
0x3c: {  	p2 =	seq.s32 s10, $0x1;
	s10 =	sld [smem:$0x3FB7]  }
0x3d: {  	_ =	shalt  }
0x3e: {  	_ =	shalt  }
0x3f: {  	_ =	shalt  }
0x40: {  	_ =	shalt  }
0x41: {  	_ =	shalt  }
0x42: {  	_ =	shalt  }
0x43: {  	_ =	shalt  }
0x44: {  	_ =	shalt  }
0x45: {  	_ =	shalt  }
0x46: {  	_ =	shalt  }
0x47: {  	_ =	shalt  }
0x48: {  	_ =	shalt  }
0x49: {  	_ =	shalt  }
0x4a: {  	_ =	shalt  }
0x4b: {  	_ =	shalt  }
0x4c: {  	_ =	shalt  }
0x4d: {  	_ =	shalt  }
0x4e: {  	_ =	shalt  }
0x4f: {  	_ =	shalt  }
0x50: {  	_ =	shalt  }
0x51: {  	_ =	shalt  }
0x52: {  	_ =	shalt  }
0x53: {  	_ =	shalt  }
0x54: {  	_ =	shalt  }
0x55: {  	_ =	shalt  }
0x56: {  	_ =	shalt  }
0x57: {  	_ =	shalt  }
0x58: {  	_ =	shalt  }
0x59: {  	_ =	shalt  }
0x5a: {  	_ =	shalt  }
0x5b: {  	_ =	shalt  }
0x5c: {  	_ =	shalt  }
0x5d: {  	_ =	shalt  }
0x5e: {  	_ =	shalt  }
0x5f: {  	_ =	shalt  }
0x60: {  	_ =	shalt  }
0x61: {  	_ =	shalt  }
0x62: {  	_ =	shalt  }
0x63: {  	_ =	shalt  }
0x64: {  	_ =	shalt  }
0x65: {  	_ =	shalt  }
0x66: {  	_ =	shalt  }
0x67: {  	_ =	shalt  }
0x68: {  	_ =	shalt  }
0x69: {  	_ =	shalt  }
0x6a: {  	_ =	shalt  }
0x6b: {  	_ =	shalt  }
0x6c: {  	_ =	shalt  }
0x6d: {  	_ =	shalt  }
0x6e: {  	_ =	shalt  }
0x6f: {  	_ =	shalt  }
0x70: {  	_ =	shalt  }
0x71: {  	_ =	shalt  }
0x72: {  	_ =	shalt  }
0x73: {  	_ =	shalt  }
0x74: {  	_ =	shalt  }
0x75: {  	_ =	shalt  }
0x76: {  	_ =	shalt  }
0x77: {  	_ =	shalt  }
0x78: {  	_ =	shalt  }
0x79: {  	_ =	shalt  }
0x7a: {  	_ =	shalt  }
0x7b: {  	_ =	shalt  }
0x7c: {  	_ =	shalt  }
0x7d: {  	_ =	shalt  }
0x7e: {  	_ =	shalt  }
0x7f: {  	_ =	shalt  }
0x80: {  	_ =	shalt  }
0x81: {  	_ =	shalt  }
0x82: {  	_ =	shalt  }
0x83: {  	_ =	shalt  }
0x84: {  	_ =	shalt  }
0x85: {  	_ =	shalt  }
0x86: {  	_ =	shalt  }
0x87: {  	_ =	shalt  }
.Lfunc_end0:
.L_simem_size_0:
called_computation_lowered:
.L_overlay_start_0:
0x88: {  	s2 =	sld [smem:$0x3FD9]  }
0x89: {  	s3 =	sld [smem:$0x3FFE];
	_ =	sdelay $0x1  }
0x8a: {  	s1 =	srdreg.scid  }
0x8b: {  	s0 =	sand.u32 $0x1, s1  }
0x8c: {  	s17 =	sshll.u32 s0, $0xA;
	s2 =	sadd.s32 s3, s2  }
0x8d: {  	s2 =	sadd.s32 s2, s17  }
0x8e: {  	[smem:$0x3FC3] =	sst s2  }
0x8f: {  	_ = 	snop  }
0x90: {  	s2 =	sld [smem:$0x3FD0];
	(tm) =	ssettm $0x1  }
0x91: {  	s18 =	sld [smem:$0x3FFB];
	_ =	sdelay $0x3  }
0x92: {  	_ =	strace s18  }
0x93: {  	s3 =	sld [smem:$0x3FFC];
	_ =	sdelay $0x3  }
0x94: {  	_ =	strace s3  }
0x95: {  	s3 =	sld [smem:$0x3FFD];
	_ =	sdelay $0x3  }
0x96: {  	_ =	strace s3  }
0x97: {  	_ =	strace $0x8FFFFFFF  }
0x98: {  	s19 =	sld [smem:$0x3FDB];
	_ =	sdelay $0x1  }
0x99: {  	s4 =	simm.s32 $_scs_section_size  }
0x9a: {  	s5 =	simm.s32 $_size__tile_overlayer_lowered;
	s6 =	simm.s32 $_tile_overlayer_lowered  }
0x9b: {  	s22 =	simm.s32 $0x1BFF;
	s21 =	sshll.u32 s6, $0x1;
	s3 =	sadd.s32 s4, s19  }
0x9c: {  	s7 =	simm.s32 $0x0;
	s20 =	sshll.u32 s5, $0x1;
	s5 =	sadd.s32 s21, s3  }
0x9d: {  	[timem:s7], [sflag:s22] =	dma.local [hbm:s5], s20  }
0x9e: {  	_ =	swait.ge [sflag:s22], s20  }
0x9f: {  	s4 =	ssub.s32 $0x0, s20;
	[sflag:s22] =	ssyncset.done $0x0  }
0xa0: {  	[sflag:s22] =	ssyncadd.s32 s4;
	_ =	sdelay $0x1  }
0xa1: {  	s23 =	simm.s32 $0x1B8B  }
0xa2: {  	_ =	swait.ge [sflag:s23], $0x1  }
0xa3: {  	[sflag:s23] =	ssyncset.done $0x0  }
0xa4: {  	s25 =	simm.s32 $0x1B8E;
	s24 =	sld [smem:$0x3FFE];
	[sflag:s23] =	ssyncadd.s32 $0xFFFFFFFF  }
0xa5: {  	s26 =	simm.s32 $execute0_lowered;
	[smem:$0x3FD2] =	sst s25  }
0xa6: {  	s5 =	sshll.u32 s26, $0x1;
	_ =	strace $0x80000046;
	[dreg:$0x1] =	wrdreg $0xFFFFFFFF  }
0xa7: {  	s28 =	simm.s32 $_size_execute0_lowered;
	s3 =	sadd.s32 s3, s5;
	[dreg:$0x0] =	wrdreg $0x0  }
0xa8: {  	s5 =	sshll.u32 s28, $0x1;
	[dreg:$0x2] =	wrdreg s3  }
0xa9: {  	[dreg:$0x3] =	wrdreg s5  }
0xaa: {  	[dreg:$0x4] =	wrdreg $0xC0  }
0xab: {  	_ =	task [dreg:s7], $0x5FFFF  }
0xac: {  	[dreg:$0x1] =	wrdreg $0xFFFFFFFF  }
0xad: {  	[dreg:$0x0] =	wrdreg $0x60  }
0xae: {  	[dreg:$0x2] =	wrdreg s24  }
0xaf: {  	[dreg:$0x3] =	wrdreg s2  }
0xb0: {  	[dreg:$0x4] =	wrdreg $0x82000  }
0xb1: {  	[dreg:$0x5] =	wrdreg $0x9  }
0xb2: {  	_ =	task.clear_ibuf [dreg:s7], $0x6FFFF;
	_ =	strace $0x90000046  }
0xb3: {  	s29 =	simm.s32 $0x9;
	_ =	strace $0x80000048  }
0xb4: {  	_ =	swait.ge [sflag:s29], $0x1  }
0xb5: {  	[sflag:s29] =	ssyncadd.s32 $0xFFFFFFFF  }
0xb6: {  	_ =	strace $0x90000048  }
0xb7: {  	_ =	sfence  }
0xb8: {  	s30 =	sld [smem:$0x0];
	_ =	sdelay $0x2  }
0xb9: {  	s31 =	sshll.u32 s1, $0xD;
	s1 =	sshrl.u32 s1, $0x2  }
0xba: {  	s3 =	sand.u32 $0x4000, s31;
	s1 =	sadd.s32 s1, s30  }
0xbb: {  	s0 =	sor.u32 s3, s0;
	s1 =	sshll.u32 s1, $0x11  }
0xbc: {  	s0 =	sor.u32 s1, s0  }
0xbd: {  	s0 =	sadd.s32 $0x8F2B, s0  }
0xbe: {  	[sflag:s0] =	ssyncadd.remote.s32 $0x1  }
0xbf: {  	_ =	sfence.sel $0xFFFF  }
0xc0: {  	[dreg:$0x0] =	wrdreg $0xFFFFFFFF;
	(pc) =	sbr.abs _section_cstart, $3  }
0xc1: {  	[dreg:$0x1] =	wrdreg $0xFFFFFFFF  }
0xc2: {  	_ =	task.clear_ibuf [dreg:s7], $0x2FFFF;
	_ =	strace $0x9FFFFFFF  }
0xc3: {  	(tm) =	ssettm $0x7FFFFFFF  }
tec
execute0_lowered:
.L_overlay_start_1:
0x0: {  	(tag) =	ssettag $0x1  }
0x1: {  	s7 =	rddreg [dreg:$0x0]  }
0x2: {  	s9 =	rddreg [dreg:$0x1]  }
0x3: {  	s1 =	rddreg [dreg:$0x2]  }
0x4: {  	s2 =	srdreg.scid;
	s0 =	rddreg [dreg:$0x3];
	s3 =	simm.s32 $0x0  }
0x5: {  	s16 =	simm.s32 $0x200;
	s17 =	simm.s32 $0x100;
	s18 =	simm.s32 $0x80  }
0x6: {  	s19 =	simm.s32 $0x4;
	s20 =	simm.s32 $0x180;
	s21 =	simm.s32 $0x1  }
0x7: {  	s22 =	simm.s32 $0x2;
	s23 =	simm.s32 $0x4200;
	s8 =	sand.u32 $0x1, s2  }
0x8: {  	s24 =	simm.s32 $0x3;
	s2 =	stileid.u32;
	s6 =	smul.u32 $0x13C000, s8  }
0x9: {  	[smem:$0x7FF] =	sst s3;
	s5 =	sadd.s32 $0x3ABA00, s7;
	s10 =	smul.u32 $0x13C00, s2  }
0xa: {  	s4 =	sadd.s32 $0x1A00, s7;
	_ =	strace $0x80000047;
	s13 =	smul.u32 $0x4F000, s2  }
0xb: {  	s11 =	sshll.u32 s8, $0x4;
	s12 =	ssub.s32 $0x2, s8;
	s29 =	smul.u32 $0xA000, s8  }
0xc: {  	s30 =	sshll.u32 s2, $0x6;
	s31 =	smul.u32 $0xA00, s2;
	s11 =	sor.u32 s2, s11  }
0xd: {  	s25 =	sshrl.u32 s12, $0x1;
	s10 =	sadd.s32 s10, s6;
	s6 =	sadd.s32 $0x3AB200, s7  }
0xe: {  	s26 =	smul.u32 $0xA00, s11;
	s12 =	ssub.s32 s12, s25;
	s28 =	sshrl.u32 s13, $0x2  }
0xf: {  	s11 =	sadd.s32 s29, s9;
	s25 =	simm.s32 $0x0;
	s10 =	sshrl.u32 s10, $0x3  }
0x10: {  	s15 =	sadd.s32 s28, s1;
	s13 =	sadd.s32 s31, s11;
	s12 =	smax.u32 s12, $0x1  }
0x11: {  	s14 =	sadd.s32 s10, s7;
	s7 =	sor.u32 $0x1C05, s30;
	s8 =	sadd.s32 s9, s26  }
0x12: {  	s13 =	sadd.s32 $0x40, s13;
	s9 =	sadd.s32 $0x20, s8;
	s10 =	sadd.s32 $0x3FD200, s14  }
0x13: {  	s11 =	sadd.s32 $0x3AE200, s14;
	s14 =	sshrl.u32 s15, $0x3;
	s15 =	simm.s32 $0x5  }
.LBB2_1:
0x14: {  	[spmem:s14], [sflag:s7] =	dma.local [hbm:s5], $0x2780  }
0x15: {  	_ =	swait.ge [sflag:s15], $0x2780  }
0x16: {  	[sflag:s15] =	ssyncset.done $0x0  }
0x17: {  	[sflag:s15] =	ssyncadd.s32 $0xFFFFD880  }
0x18: {  	[bflag:$0x0] =	sbarrier.arrive $0xFFFF  }
0x19: {  	[tilespmem:s16], [sflag:$0x5] =	stream.linear.gather [hbm4b:s6+s3], $0x4000, $0x38;
	[tilespmem:$0x1BE00] =	vst v63  }
0x1a: {  	_ =	swait.ge [sflag:s15], $0x4000  }
0x1b: {  	[sflag:s15] =	ssyncset.done $0x0  }
0x1c: {  	[sflag:s15] =	ssyncadd.s32 $0xFFFFC000  }
0x1d: {  	[tilespmem:s3], [sflag:$0x5] =	stream.linear.gather [hbm4b:s8+s3], $0x100, $0x38;
	[tilespmem:$0x1BE00] =	vst v63  }
0x1e: {  	_ =	swait.ge [sflag:s15], $0x100  }
.Ltmp0:
0x1f: {  	[sflag:s15] =	ssyncset.done $0x0;
	(pc) =	sbr.rel .LBB2_2-.Ltmp0, $4  }
0x20: {  	[sflag:s15] =	ssyncadd.s32 $0xFFFFFF00  }
0x21: {  	[tilespmem:s17], [sflag:$0x4] =	stream.linear.gather [hbm4b:s9+s3], $0x100, $0x38;
	[tilespmem:$0x1BE00] =	vst v63  }
0x22: {  	s26 =	simm.s32 $0xFFFFFFB1;
	s28 =	smov.u32 s13  }
0x23: {  	[spmem:s1] =	stream.indirect.scatter.add.f32 [tilespmem:s16], [sflag:$0x1], $0x80, s18, s18, $0xb8;
	[tilespmem:$0x1BE00] =	vst v63  }
.LBB2_3:
0x24: {  	_ =	swait.ge [sflag:s24], $0x100  }
0x25: {  	[sflag:s24] =	ssyncset.done $0x0  }
0x26: {  	[sflag:s24] =	ssyncadd.s32 $0xFFFFFF00  }
0x27: {  	[spmem:s1] =	stream.indirect.scatter.add.f32 [tilespmem:s16], [sflag:$0x1], $0x80, s18, s18, $0xb8;
	[tilespmem:$0x1BE00] =	vst v63  }
0x28: {  	_ =	swait.ge [sflag:s22], $0x4000  }
0x29: {  	[sflag:s22] =	ssyncset.done $0x0  }
0x2a: {  	[sflag:s22] =	ssyncadd.s32 $0xFFFFC000  }
0x2b: {  	[tilespmem:s17], [sflag:$0x4] =	stream.linear.gather [hbm4b:s28+s3], $0x100, $0x38;
	[tilespmem:$0x1BE00] =	vst v63  }
.LBB2_6:
0x2c: {  	s26 =	sadd.s32 $0x1, s26  }
0x2d: {  	p0 =	seq.s32 s26, $0x0  }
.Ltmp1:
0x2e: {  	_ = 	snop;
	(pc) =	sbr.rel @p0 .LBB2_7-.Ltmp1, $2  }
0x2f: {  	_ =	sdelay $0x2  }
0x30: {  	s28 =	sadd.s32 $0x20, s28  }
.LBB2_2:
0x31: {  	s29 =	sand.u32 $0x1, s26  }
0x32: {  	p0 =	seq.s32 s29, $0x1  }
.Ltmp2:
0x33: {  	_ = 	snop;
	(pc) =	sbr.rel @!p0 .LBB2_3-.Ltmp2, $1  }
0x34: {  	_ =	sdelay $0x3  }
0x35: {  	_ =	swait.ge [sflag:s19], $0x100  }
0x36: {  	p0 =	seq.s32 s26, $0xFFFFFFFF;
	[sflag:s19] =	ssyncset.done $0x0  }
.Ltmp3:
0x37: {  	[sflag:s19] =	ssyncadd.s32 $0xFFFFFF00;
	(pc) =	sbr.rel @p0 .LBB2_7-.Ltmp3, $4  }
0x38: {  	[spmem:s1] =	stream.indirect.scatter.add.f32 [tilespmem:s16], [sflag:$0x2], $0x80, s20, s18, $0xb8;
	[tilespmem:$0x1BE00] =	vst v63  }
0x39: {  	_ =	swait.ge [sflag:s21], $0x4000  }
0x3a: {  	[sflag:s21] =	ssyncset.done $0x0  }
0x3b: {  	[sflag:s21] =	ssyncadd.s32 $0xFFFFC000  }
.Ltmp4:
0x3c: {  	(pc) =	sbr.rel .LBB2_6-.Ltmp4, $2  }
0x3d: {  	_ =	sdelay $0x2  }
0x3e: {  	[tilespmem:s3], [sflag:$0x3] =	stream.linear.gather [hbm4b:s28+s3], $0x100, $0x38;
	[tilespmem:$0x1BE00] =	vst v63  }
.LBB2_7:
0x3f: {  	_ =	swait.ge [sflag:s22], $0x4000  }
0x40: {  	[sflag:s22] =	ssyncset.done $0x0  }
0x41: {  	[sflag:s22] =	ssyncadd.s32 $0xFFFFC000  }
0x42: {  	[bflag:$0x0] =	sbarrier.arrive $0xFFFF  }
0x43: {  	[hbm:s10], [sflag:s7] =	dma.local [spmem:s14], $0x2780  }
0x44: {  	_ =	swait.ge [sflag:s15], $0x2780  }
0x45: {  	[sflag:s15] =	ssyncset.done $0x0  }
0x46: {  	[sflag:s15] =	ssyncadd.s32 $0xFFFFD880  }
0x47: {  	[spmem:s14], [sflag:s7] =	dma.local [hbm:s5], $0x2780  }
0x48: {  	_ =	swait.ge [sflag:s15], $0x2780  }
0x49: {  	[sflag:s15] =	ssyncset.done $0x0  }
0x4a: {  	[sflag:s15] =	ssyncadd.s32 $0xFFFFD880  }
0x4b: {  	s26 =	simm.s32 $0x0;
	[bflag:$0x0] =	sbarrier.arrive $0xFFFF  }
0x4c: {  	[tilespmem:s26], [sflag:$0x5] =	stream.linear.gather [hbm4b:s8+s26], $0x100, $0x38;
	[tilespmem:$0x1BE00] =	vst v63  }
0x4d: {  	_ =	swait.ge [sflag:s15], $0x100  }
0x4e: {  	[sflag:s15] =	ssyncset.done $0x0  }
0x4f: {  	[sflag:s15] =	ssyncadd.s32 $0xFFFFFF00  }
0x50: {  	[tilespmem:s16], [sflag:$0x1] =	stream.indirect.gather [hbm4b:s4+s18], $0x80, s26, s18, $0xb8;
	[tilespmem:$0x1BE00] =	vst v63  }
0x51: {  	s28 =	smov.u32 s13  }
0x52: {  	[tilespmem:s17], [sflag:$0x4] =	stream.linear.gather [hbm4b:s9+s26], $0x100, $0x38;
	[tilespmem:$0x1BE00] =	vst v63  }
.LBB2_8:
0x53: {  	s29 =	sand.u32 $0x1, s26  }
0x54: {  	p0 =	seq.s32 s29, $0x1  }
0x55: {  	s29 =	simm.s32 @!p0 $0x1  }
0x56: {  	_ =	swait.ge @!p0 [sflag:s29], $0x4000  }
0x57: {  	[sflag:s29] =	ssyncset.done @!p0 $0x0  }
0x58: {  	[sflag:s29] =	ssyncadd.s32 @!p0 $0xFFFFC000;
	s29 =	simm.s32 @!p0 $0x4  }
0x59: {  	_ =	swait.ge @!p0 [sflag:s29], $0x100  }
0x5a: {  	s30 =	simm.s32 @!p0 $0x100;
	[sflag:s29] =	ssyncset.done @!p0 $0x0  }
0x5b: {  	s31 =	simm.s32 @!p0 $0x4200;
	[sflag:s29] =	ssyncadd.s32 @!p0 $0xFFFFFF00;
	s29 =	simm.s32 @!p0 $0x80  }
0x5c: {  	[tilespmem:s31], [sflag:$0x2] =	stream.indirect.gather @!p0 [hbm4b:s4+s29], $0x80, s30, s29, $0xb8;
	[tilespmem:$0x1BE00] =	vst v63  }
0x5d: {  	s30 =	simm.s32 @!p0 $0x200  }
0x5e: {  	[spmem:s1] =	stream.indirect.scatter.add.f32 @!p0 [tilespmem:s30], [sflag:$0x5], $0x80, s29, s29, $0xb8;
	[tilespmem:$0x1BE00] =	vst v63  }
0x5f: {  	s29 =	simm.s32 @!p0 $0x5  }
0x60: {  	_ =	swait.ge @!p0 [sflag:s29], $0x4000  }
0x61: {  	[sflag:s29] =	ssyncset.done @!p0 $0x0  }
0x62: {  	[sflag:s29] =	ssyncadd.s32 @!p0 $0xFFFFC000;
	s29 =	simm.s32 @!p0 $0x0  }
0x63: {  	[tilespmem:s29], [sflag:$0x3] =	stream.linear.gather @!p0 [hbm4b:s28+s29], $0x100, $0x38;
	[tilespmem:$0x1BE00] =	vst v63  }
0x64: {  	s29 =	sand.u32 @!p0 $0x1, s26  }
0x65: {  	p1 =	seq.s32 @!p0 s29, $0x0  }
0x66: {  	p0 =	por p0, !p1  }
0x67: {  	_ =	swait.ge @p0 [sflag:s22], $0x4000  }
0x68: {  	[sflag:s22] =	ssyncset.done @p0 $0x0  }
0x69: {  	[sflag:s22] =	ssyncadd.s32 @p0 $0xFFFFC000  }
0x6a: {  	_ =	swait.ge @p0 [sflag:s24], $0x100  }
0x6b: {  	[sflag:s24] =	ssyncset.done @p0 $0x0  }
0x6c: {  	[sflag:s24] =	ssyncadd.s32 @p0 $0xFFFFFF00  }
0x6d: {  	[tilespmem:s16], [sflag:$0x1] =	stream.indirect.gather @p0 [hbm4b:s4+s18], $0x80, s3, s18, $0xb8;
	[tilespmem:$0x1BE00] =	vst v63  }
0x6e: {  	_ = 	snop  }
0x6f: {  	[spmem:s1] =	stream.indirect.scatter.add.f32 @p0 [tilespmem:s23], [sflag:$0x5], $0x80, s20, s18, $0xb8;
	[tilespmem:$0x1BE00] =	vst v63  }
0x70: {  	_ =	swait.ge @p0 [sflag:s15], $0x4000  }
0x71: {  	[sflag:s15] =	ssyncset.done @p0 $0x0  }
0x72: {  	s26 =	sadd.s32 $0x1, s26;
	[sflag:s15] =	ssyncadd.s32 @p0 $0xFFFFC000  }
0x73: {  	[tilespmem:s17], [sflag:$0x4] =	stream.linear.gather @p0 [hbm4b:s28+s3], $0x100, $0x38;
	[tilespmem:$0x1BE00] =	vst v63  }
0x74: {  	p0 =	sne.s32 s26, $0x4E  }
.Ltmp5:
0x75: {  	_ = 	snop;
	(pc) =	sbr.rel @p0 .LBB2_8-.Ltmp5, $2  }
0x76: {  	_ =	sdelay $0x2  }
0x77: {  	s28 =	sadd.s32 $0x20, s28  }
0x78: {  	_ =	swait.ge [sflag:s21], $0x4000  }
0x79: {  	[sflag:s21] =	ssyncset.done $0x0  }
0x7a: {  	[sflag:s21] =	ssyncadd.s32 $0xFFFFC000  }
0x7b: {  	_ =	swait.ge [sflag:s19], $0x100  }
0x7c: {  	[sflag:s19] =	ssyncset.done $0x0  }
0x7d: {  	[sflag:s19] =	ssyncadd.s32 $0xFFFFFF00  }
0x7e: {  	[tilespmem:s23], [sflag:$0x2] =	stream.indirect.gather [hbm4b:s4+s18], $0x80, s17, s18, $0xb8;
	[tilespmem:$0x1BE00] =	vst v63  }
0x7f: {  	_ = 	snop  }
0x80: {  	[spmem:s1] =	stream.indirect.scatter.add.f32 [tilespmem:s16], [sflag:$0x5], $0x80, s18, s18, $0xb8;
	[tilespmem:$0x1BE00] =	vst v63  }
0x81: {  	_ =	swait.ge [sflag:s15], $0x4000  }
0x82: {  	[sflag:s15] =	ssyncset.done $0x0  }
0x83: {  	[sflag:s15] =	ssyncadd.s32 $0xFFFFC000  }
0x84: {  	_ =	swait.ge [sflag:s22], $0x4000  }
0x85: {  	[sflag:s22] =	ssyncset.done $0x0  }
0x86: {  	[sflag:s22] =	ssyncadd.s32 $0xFFFFC000  }
0x87: {  	[spmem:s1] =	stream.indirect.scatter.add.f32 [tilespmem:s23], [sflag:$0x5], $0x80, s20, s18, $0xb8;
	[tilespmem:$0x1BE00] =	vst v63  }
0x88: {  	_ =	swait.ge [sflag:s15], $0x4000  }
0x89: {  	s25 =	sadd.s32 $0x1, s25;
	[sflag:s15] =	ssyncset.done $0x0  }
0x8a: {  	p0 =	sne.s32 s25, s12;
	[sflag:s15] =	ssyncadd.s32 $0xFFFFC000  }
.Ltmp6:
0x8b: {  	[bflag:$0x0] =	sbarrier.arrive $0xFFFF;
	(pc) =	sbr.rel @p0 .LBB2_1-.Ltmp6, $4  }
0x8c: {  	[hbm:s11], [sflag:s7] =	dma.local [spmem:s14], $0x2780  }
0x8d: {  	_ =	swait.ge [sflag:s15], $0x2780  }
0x8e: {  	[sflag:s15] =	ssyncset.done $0x0  }
0x8f: {  	[sflag:s15] =	ssyncadd.s32 $0xFFFFD880  }
0x90: {  	_ =	sfence.sel $0x180000  }
0x91: {  	[bflag:$0x0] =	sbarrier.arrive $0xFFFF  }
0x92: {  	p0 =	sne.s32 s2, $0x0;
	_ =	strace $0x90000047  }
0x93: {  	s0 =	sadd.s32 @!p0 $0x100000, s0;
	[bflag:$0x2] =	sbarrier.arrive $0xFFFF  }
0x94: {  	[sflag:s0] =	ssyncadd.tile.s32 @!p0 $0x1;
	_ =	shalt  }
.Lfunc_end2:
_tile_overlayer_lowered:
.L_overlay_start_2:
0x95: {  	(tag) =	ssettag $0x2  }
0x96: {  	s0 =	rddreg [dreg:$0x0];
	s2 =	stileid.u32  }
0x97: {  	s1 =	rddreg [dreg:$0x1];
	p0 =	sne.s32 s2, $0x0  }
0x98: {  	s3 =	rddreg [dreg:$0x2];
	[bflag:$0x3] =	sbarrier.arrive $0xFFFF;
	s2 =	simm.s32 @!p0 $0x1C05  }
0x99: {  	[timem:s3], [sflag:s2] =	dma.local @!p0 [hbm:s0], s1  }
0x9a: {  	s0 =	simm.s32 @!p0 $0x5  }
0x9b: {  	_ =	swait.ge @!p0 [sflag:s0], s1  }
0x9c: {  	s1 =	ssub.s32 @!p0 $0x0, s1;
	[sflag:s0] =	ssyncset.done @!p0 $0x0  }
0x9d: {  	[sflag:s0] =	ssyncadd.s32 @!p0 s1  }
0x9e: {  	[bflag:$0x3] =	sbarrier.arrive $0xFFFF  }
0x9f: {  	_ =	shalt  }

</sc_bundles>
